<compile_context>
chip_gen: v7x
topology: tpu7x:2x2x1
jax: 0.10.2.dev20260603
libtpu: 0.0.44.dev20260713+nightly
codegen_flags: <defaults>
</compile_context>

<pallas_src>
import functools

import jax
import jax.numpy as jnp
import numpy as np
from jax import lax
from jax.experimental import pallas as pl
from jax.experimental.pallas import tpu as pltpu
from jax.experimental.pallas import tpu_sc as plsc

_B = 16384
_R = 128
_C = 128

_NC = 2
_NS = 16
_L = 16
_NW = _NC * _NS
_ROWS_PER_TILE = _B // _NW

_KEY_HI = np.int32(0)
_KEY_LO = np.int32(42)


def _tf_rounds(x0, x1, rots):
    for r in rots:
        x0 = x0 + x1
        x1 = lax.shift_left(x1, np.int32(r)) | lax.shift_right_logical(
            x1, np.int32(32 - r)
        )
        x1 = x1 ^ x0
    return x0, x1


def _threefry2x32(x0, x1, k0, k1):
    ks2 = np.int32(k0 ^ k1 ^ np.int32(0x1BD11BDA))
    ks = (k0, k1, ks2)
    rot_a = (13, 15, 26, 6)
    rot_b = (17, 29, 16, 24)
    x0 = x0 + ks[0]
    x1 = x1 + ks[1]
    x0, x1 = _tf_rounds(x0, x1, rot_a)
    x0 = x0 + ks[1]
    x1 = x1 + np.int32(ks[2] + 1)
    x0, x1 = _tf_rounds(x0, x1, rot_b)
    x0 = x0 + ks[2]
    x1 = x1 + np.int32(ks[0] + 2)
    x0, x1 = _tf_rounds(x0, x1, rot_a)
    x0 = x0 + ks[0]
    x1 = x1 + np.int32(ks[1] + 3)
    x0, x1 = _tf_rounds(x0, x1, rot_b)
    x0 = x0 + ks[1]
    x1 = x1 + np.int32(ks[2] + 4)
    x0, x1 = _tf_rounds(x0, x1, rot_a)
    x0 = x0 + ks[2]
    x1 = x1 + np.int32(ks[0] + 5)
    return x0, x1


_sc_mesh = plsc.VectorSubcoreMesh(core_axis_name="c", subcore_axis_name="s")


@functools.partial(
    pl.kernel,
    mesh=_sc_mesh,
    out_type=[
        jax.ShapeDtypeStruct((_B,), jnp.int32),
        jax.ShapeDtypeStruct((_B,), jnp.int32),
    ],
    scratch_types=[
        pltpu.VMEM((_ROWS_PER_TILE,), jnp.int32),
        pltpu.VMEM((_ROWS_PER_TILE,), jnp.int32),
    ],
)
def _sc_bits(outa_hbm, outb_hbm, bufa, bufb):
    wid = lax.axis_index("s") * _NC + lax.axis_index("c")
    base = wid * _ROWS_PER_TILE
    lanes = lax.iota(jnp.int32, _L)

    def body(v, carry):
        row = base + v * _L
        cnt = (jnp.full((_L,), row * 2, jnp.int32) + lanes * np.int32(2))
        za = jnp.zeros((_L,), jnp.int32)
        a0, a1 = _threefry2x32(za, cnt, _KEY_HI, _KEY_LO)
        b0, b1 = _threefry2x32(za, cnt + np.int32(1), _KEY_HI, _KEY_LO)
        bufa[pl.ds(v * _L, _L)] = a0 ^ a1
        bufb[pl.ds(v * _L, _L)] = b0 ^ b1
        return carry

    lax.fori_loop(0, _ROWS_PER_TILE // _L, body, 0)
    pltpu.sync_copy(bufa, outa_hbm.at[pl.ds(base, _ROWS_PER_TILE)])
    pltpu.sync_copy(bufb, outb_hbm.at[pl.ds(base, _ROWS_PER_TILE)])


def _bits_to_gumbel(bits_i32):
    tiny = np.float32(np.finfo(np.float32).tiny)
    bits = lax.bitcast_convert_type(bits_i32, jnp.uint32)
    mant = (bits >> np.uint32(9)) | np.uint32(0x3F800000)
    fl = lax.bitcast_convert_type(mant, jnp.float32) - np.float32(1.0)
    u = jnp.maximum(tiny, fl * (np.float32(1.0) - tiny) + tiny)
    return -jnp.log(-jnp.log(u))


def _combine_body(p_ref, a_ref, b_ref, o_ref):
    p = p_ref[...]
    g0 = _bits_to_gumbel(a_ref[...])
    g1 = _bits_to_gumbel(b_ref[...])
    v0 = jnp.log(np.float32(1.0) - p) + g0
    v1 = jnp.log(p) + g1
    o_ref[...] = (v1 > v0).astype(jnp.float32)


def kernel(p_t):
    ba, bb = _sc_bits()
    p2 = p_t.reshape(_R, _C)
    out = pl.pallas_call(
        _combine_body,
        out_shape=jax.ShapeDtypeStruct((_R, _C), jnp.float32),
    )(p2, ba.reshape(_R, _C), bb.reshape(_R, _C))
    return out.reshape(_B, 1, 1)

# --- scband reference (transcript-rebuilt; emitter-appended) ---
"""Pipeline reference for scband-sampling-layer-14903536517658 (READ-ONLY COPY).

The authoritative reference and input builder live on the scoring server;
editing this copy changes nothing except your own understanding.
"""

import jax, jax.numpy as jnp
import numpy as np


def setup_inputs(seed: int = 0) -> dict:
    key = jax.random.key(seed)
    # p_t: probabilities Pr(x=1|history), shape [batch, 1, 1]
    p_t = jax.random.uniform(key, (16384, 1, 1), dtype=jnp.float32)
    return {"p_t": p_t}


def reference(p_t):
    # Faithful translation of SamplingLayer.call
    # p_t: [B, 1, 1] -> squeeze last axis -> p: [B, 1]
    p = jnp.squeeze(p_t, axis=-1)
    p_bar = jnp.ones_like(p) - p
    # logits over 2 classes: [B, 2] with columns [log(1-p), log(p)]
    logits = jnp.log(jnp.concatenate([p_bar, p], axis=-1))
    # tf.random.categorical(logits, num_samples=1) -> [B, 1]
    skey = jax.random.key(42)
    x = jax.random.categorical(skey, logits, axis=-1)  # [B]
    x = x[:, None]  # [B, 1] (num_samples=1)
    x = x[..., None]  # expand_dims(axis=-1) -> [B, 1, 1]
    # Original casts to float64; default-jax (x64 disabled) uses float32.
    return x.astype(jnp.float32)

if __name__ == "__main__":
    import jax
    _d = setup_inputs()
    print(jax.jit(kernel)(*tuple(_d.values())))

</pallas_src>

<mosaic_0001>
#map = affine_map<(d0, d1) -> (0)>
module attributes {stable_mosaic.version = 14 : i64} {
  func.func @_sc_bits(%arg0: i32, %arg1: i32, %arg2: memref<16384xi32, #tpu.memory_space<hbm>>, %arg3: memref<16384xi32, #tpu.memory_space<hbm>>, %arg4: memref<512xi32, #tpu.memory_space<vmem>>, %arg5: memref<512xi32, #tpu.memory_space<vmem>>) attributes {dimension_semantics = [#tpu.dimension_semantics<core_parallel>, #tpu.dimension_semantics<subcore_parallel>], iteration_bounds = array<i64: 2, 16>, scalar_prefetch = 0 : i64, scratch_operands = 2 : i64, tpu.core_type = #tpu.core_type<sc_vector_subcore>, window_params = [{transform_indices = #map}, {transform_indices = #map}]} {
    %mul3A = arith.constant 2 : i32
    %mul3A_0 = arith.muli %arg1, %mul3A : i32
    %add3A = arith.addi %mul3A_0, %arg0 : i32
    %mul3A_1 = arith.constant 512 : i32
    %mul3A_2 = arith.muli %add3A, %mul3A_1 : i32
    %iota3A = tpu.iota {dimensions = array<i32: 0>} : vector<16xi32>
    %scan3A = arith.constant 0 : i32
    %scan3A_3 = arith.constant 0 : i32
    %scan3A_4 = arith.constant 32 : i32
    %scan3A_5 = arith.addi %scan3A_3, %scan3A_4 : i32
    %scan3A_6 = arith.constant 1 : i32
    scf.for %scan3A_8 = %scan3A_3 to %scan3A_5 step %scan3A_6  : i32 {
      %mul3A_9 = arith.constant 16 : i32
      %mul3A_10 = arith.muli %scan3A_8, %mul3A_9 : i32
      %add3A_11 = arith.addi %mul3A_2, %mul3A_10 : i32
      %mul3A_12 = arith.constant 2 : i32
      %mul3A_13 = arith.muli %add3A_11, %mul3A_12 : i32
      %broadcast_in_dim3A = vector.broadcast %mul3A_13 : i32 to vector<16xi32>
      %mul3A_14 = arith.constant 2 : i32
      %mul3A_15 = vector.broadcast %mul3A_14 : i32 to vector<16xi32>
      %mul3A_16 = arith.muli %iota3A, %mul3A_15 : vector<16xi32>
      %add3A_17 = arith.addi %broadcast_in_dim3A, %mul3A_16 : vector<16xi32>
      %broadcast_in_dim3A_18 = arith.constant 0 : i32
      %broadcast_in_dim3A_19 = vector.broadcast %broadcast_in_dim3A_18 : i32 to vector<16xi32>
      %add3A_20 = arith.constant 0 : i32
      %add3A_21 = vector.broadcast %add3A_20 : i32 to vector<16xi32>
      %add3A_22 = arith.addi %broadcast_in_dim3A_19, %add3A_21 : vector<16xi32>
      %add3A_23 = arith.constant 42 : i32
      %add3A_24 = vector.broadcast %add3A_23 : i32 to vector<16xi32>
      %add3A_25 = arith.addi %add3A_17, %add3A_24 : vector<16xi32>
      %add3A_26 = arith.addi %add3A_22, %add3A_25 : vector<16xi32>
      %shift_left3A = arith.constant 13 : i32
      %shift_left3A_27 = vector.broadcast %shift_left3A : i32 to vector<16xi32>
      %shift_left3A_28 = arith.shli %add3A_25, %shift_left3A_27 : vector<16xi32>
      %shift_right_logical3A = arith.constant 19 : i32
      %shift_right_logical3A_29 = vector.broadcast %shift_right_logical3A : i32 to vector<16xi32>
      %shift_right_logical3A_30 = arith.shrui %add3A_25, %shift_right_logical3A_29 : vector<16xi32>
      %or3A = arith.ori %shift_left3A_28, %shift_right_logical3A_30 : vector<16xi32>
      %xor3A = arith.xori %or3A, %add3A_26 : vector<16xi32>
      %add3A_31 = arith.addi %add3A_26, %xor3A : vector<16xi32>
      %shift_left3A_32 = arith.constant 15 : i32
      %shift_left3A_33 = vector.broadcast %shift_left3A_32 : i32 to vector<16xi32>
      %shift_left3A_34 = arith.shli %xor3A, %shift_left3A_33 : vector<16xi32>
      %shift_right_logical3A_35 = arith.constant 17 : i32
      %shift_right_logical3A_36 = vector.broadcast %shift_right_logical3A_35 : i32 to vector<16xi32>
      %shift_right_logical3A_37 = arith.shrui %xor3A, %shift_right_logical3A_36 : vector<16xi32>
      %or3A_38 = arith.ori %shift_left3A_34, %shift_right_logical3A_37 : vector<16xi32>
      %xor3A_39 = arith.xori %or3A_38, %add3A_31 : vector<16xi32>
      %add3A_40 = arith.addi %add3A_31, %xor3A_39 : vector<16xi32>
      %shift_left3A_41 = arith.constant 26 : i32
      %shift_left3A_42 = vector.broadcast %shift_left3A_41 : i32 to vector<16xi32>
      %shift_left3A_43 = arith.shli %xor3A_39, %shift_left3A_42 : vector<16xi32>
      %shift_right_logical3A_44 = arith.constant 6 : i32
      %shift_right_logical3A_45 = vector.broadcast %shift_right_logical3A_44 : i32 to vector<16xi32>
      %shift_right_logical3A_46 = arith.shrui %xor3A_39, %shift_right_logical3A_45 : vector<16xi32>
      %or3A_47 = arith.ori %shift_left3A_43, %shift_right_logical3A_46 : vector<16xi32>
      %xor3A_48 = arith.xori %or3A_47, %add3A_40 : vector<16xi32>
      %add3A_49 = arith.addi %add3A_40, %xor3A_48 : vector<16xi32>
      %shift_left3A_50 = arith.constant 6 : i32
      %shift_left3A_51 = vector.broadcast %shift_left3A_50 : i32 to vector<16xi32>
      %shift_left3A_52 = arith.shli %xor3A_48, %shift_left3A_51 : vector<16xi32>
      %shift_right_logical3A_53 = arith.constant 26 : i32
      %shift_right_logical3A_54 = vector.broadcast %shift_right_logical3A_53 : i32 to vector<16xi32>
      %shift_right_logical3A_55 = arith.shrui %xor3A_48, %shift_right_logical3A_54 : vector<16xi32>
      %or3A_56 = arith.ori %shift_left3A_52, %shift_right_logical3A_55 : vector<16xi32>
      %xor3A_57 = arith.xori %or3A_56, %add3A_49 : vector<16xi32>
      %add3A_58 = arith.constant 42 : i32
      %add3A_59 = vector.broadcast %add3A_58 : i32 to vector<16xi32>
      %add3A_60 = arith.addi %add3A_49, %add3A_59 : vector<16xi32>
      %add3A_61 = arith.constant 466689009 : i32
      %add3A_62 = vector.broadcast %add3A_61 : i32 to vector<16xi32>
      %add3A_63 = arith.addi %xor3A_57, %add3A_62 : vector<16xi32>
      %add3A_64 = arith.addi %add3A_60, %add3A_63 : vector<16xi32>
      %shift_left3A_65 = arith.constant 17 : i32
      %shift_left3A_66 = vector.broadcast %shift_left3A_65 : i32 to vector<16xi32>
      %shift_left3A_67 = arith.shli %add3A_63, %shift_left3A_66 : vector<16xi32>
      %shift_right_logical3A_68 = arith.constant 15 : i32
      %shift_right_logical3A_69 = vector.broadcast %shift_right_logical3A_68 : i32 to vector<16xi32>
      %shift_right_logical3A_70 = arith.shrui %add3A_63, %shift_right_logical3A_69 : vector<16xi32>
      %or3A_71 = arith.ori %shift_left3A_67, %shift_right_logical3A_70 : vector<16xi32>
      %xor3A_72 = arith.xori %or3A_71, %add3A_64 : vector<16xi32>
      %add3A_73 = arith.addi %add3A_64, %xor3A_72 : vector<16xi32>
      %shift_left3A_74 = arith.constant 29 : i32
      %shift_left3A_75 = vector.broadcast %shift_left3A_74 : i32 to vector<16xi32>
      %shift_left3A_76 = arith.shli %xor3A_72, %shift_left3A_75 : vector<16xi32>
      %shift_right_logical3A_77 = arith.constant 3 : i32
      %shift_right_logical3A_78 = vector.broadcast %shift_right_logical3A_77 : i32 to vector<16xi32>
      %shift_right_logical3A_79 = arith.shrui %xor3A_72, %shift_right_logical3A_78 : vector<16xi32>
      %or3A_80 = arith.ori %shift_left3A_76, %shift_right_logical3A_79 : vector<16xi32>
      %xor3A_81 = arith.xori %or3A_80, %add3A_73 : vector<16xi32>
      %add3A_82 = arith.addi %add3A_73, %xor3A_81 : vector<16xi32>
      %shift_left3A_83 = arith.constant 16 : i32
      %shift_left3A_84 = vector.broadcast %shift_left3A_83 : i32 to vector<16xi32>
      %shift_left3A_85 = arith.shli %xor3A_81, %shift_left3A_84 : vector<16xi32>
      %shift_right_logical3A_86 = arith.constant 16 : i32
      %shift_right_logical3A_87 = vector.broadcast %shift_right_logical3A_86 : i32 to vector<16xi32>
      %shift_right_logical3A_88 = arith.shrui %xor3A_81, %shift_right_logical3A_87 : vector<16xi32>
      %or3A_89 = arith.ori %shift_left3A_85, %shift_right_logical3A_88 : vector<16xi32>
      %xor3A_90 = arith.xori %or3A_89, %add3A_82 : vector<16xi32>
      %add3A_91 = arith.addi %add3A_82, %xor3A_90 : vector<16xi32>
      %shift_left3A_92 = arith.constant 24 : i32
      %shift_left3A_93 = vector.broadcast %shift_left3A_92 : i32 to vector<16xi32>
      %shift_left3A_94 = arith.shli %xor3A_90, %shift_left3A_93 : vector<16xi32>
      %shift_right_logical3A_95 = arith.constant 8 : i32
      %shift_right_logical3A_96 = vector.broadcast %shift_right_logical3A_95 : i32 to vector<16xi32>
      %shift_right_logical3A_97 = arith.shrui %xor3A_90, %shift_right_logical3A_96 : vector<16xi32>
      %or3A_98 = arith.ori %shift_left3A_94, %shift_right_logical3A_97 : vector<16xi32>
      %xor3A_99 = arith.xori %or3A_98, %add3A_91 : vector<16xi32>
      %add3A_100 = arith.constant 466689008 : i32
      %add3A_101 = vector.broadcast %add3A_100 : i32 to vector<16xi32>
      %add3A_102 = arith.addi %add3A_91, %add3A_101 : vector<16xi32>
      %add3A_103 = arith.constant 2 : i32
      %add3A_104 = vector.broadcast %add3A_103 : i32 to vector<16xi32>
      %add3A_105 = arith.addi %xor3A_99, %add3A_104 : vector<16xi32>
      %add3A_106 = arith.addi %add3A_102, %add3A_105 : vector<16xi32>
      %shift_left3A_107 = arith.constant 13 : i32
      %shift_left3A_108 = vector.broadcast %shift_left3A_107 : i32 to vector<16xi32>
      %shift_left3A_109 = arith.shli %add3A_105, %shift_left3A_108 : vector<16xi32>
      %shift_right_logical3A_110 = arith.constant 19 : i32
      %shift_right_logical3A_111 = vector.broadcast %shift_right_logical3A_110 : i32 to vector<16xi32>
      %shift_right_logical3A_112 = arith.shrui %add3A_105, %shift_right_logical3A_111 : vector<16xi32>
      %or3A_113 = arith.ori %shift_left3A_109, %shift_right_logical3A_112 : vector<16xi32>
      %xor3A_114 = arith.xori %or3A_113, %add3A_106 : vector<16xi32>
      %add3A_115 = arith.addi %add3A_106, %xor3A_114 : vector<16xi32>
      %shift_left3A_116 = arith.constant 15 : i32
      %shift_left3A_117 = vector.broadcast %shift_left3A_116 : i32 to vector<16xi32>
      %shift_left3A_118 = arith.shli %xor3A_114, %shift_left3A_117 : vector<16xi32>
      %shift_right_logical3A_119 = arith.constant 17 : i32
      %shift_right_logical3A_120 = vector.broadcast %shift_right_logical3A_119 : i32 to vector<16xi32>
      %shift_right_logical3A_121 = arith.shrui %xor3A_114, %shift_right_logical3A_120 : vector<16xi32>
      %or3A_122 = arith.ori %shift_left3A_118, %shift_right_logical3A_121 : vector<16xi32>
      %xor3A_123 = arith.xori %or3A_122, %add3A_115 : vector<16xi32>
      %add3A_124 = arith.addi %add3A_115, %xor3A_123 : vector<16xi32>
      %shift_left3A_125 = arith.constant 26 : i32
      %shift_left3A_126 = vector.broadcast %shift_left3A_125 : i32 to vector<16xi32>
      %shift_left3A_127 = arith.shli %xor3A_123, %shift_left3A_126 : vector<16xi32>
      %shift_right_logical3A_128 = arith.constant 6 : i32
      %shift_right_logical3A_129 = vector.broadcast %shift_right_logical3A_128 : i32 to vector<16xi32>
      %shift_right_logical3A_130 = arith.shrui %xor3A_123, %shift_right_logical3A_129 : vector<16xi32>
      %or3A_131 = arith.ori %shift_left3A_127, %shift_right_logical3A_130 : vector<16xi32>
      %xor3A_132 = arith.xori %or3A_131, %add3A_124 : vector<16xi32>
      %add3A_133 = arith.addi %add3A_124, %xor3A_132 : vector<16xi32>
      %shift_left3A_134 = arith.constant 6 : i32
      %shift_left3A_135 = vector.broadcast %shift_left3A_134 : i32 to vector<16xi32>
      %shift_left3A_136 = arith.shli %xor3A_132, %shift_left3A_135 : vector<16xi32>
      %shift_right_logical3A_137 = arith.constant 26 : i32
      %shift_right_logical3A_138 = vector.broadcast %shift_right_logical3A_137 : i32 to vector<16xi32>
      %shift_right_logical3A_139 = arith.shrui %xor3A_132, %shift_right_logical3A_138 : vector<16xi32>
      %or3A_140 = arith.ori %shift_left3A_136, %shift_right_logical3A_139 : vector<16xi32>
      %xor3A_141 = arith.xori %or3A_140, %add3A_133 : vector<16xi32>
      %add3A_142 = arith.constant 0 : i32
      %add3A_143 = vector.broadcast %add3A_142 : i32 to vector<16xi32>
      %add3A_144 = arith.addi %add3A_133, %add3A_143 : vector<16xi32>
      %add3A_145 = arith.constant 45 : i32
      %add3A_146 = vector.broadcast %add3A_145 : i32 to vector<16xi32>
      %add3A_147 = arith.addi %xor3A_141, %add3A_146 : vector<16xi32>
      %add3A_148 = arith.addi %add3A_144, %add3A_147 : vector<16xi32>
      %shift_left3A_149 = arith.constant 17 : i32
      %shift_left3A_150 = vector.broadcast %shift_left3A_149 : i32 to vector<16xi32>
      %shift_left3A_151 = arith.shli %add3A_147, %shift_left3A_150 : vector<16xi32>
      %shift_right_logical3A_152 = arith.constant 15 : i32
      %shift_right_logical3A_153 = vector.broadcast %shift_right_logical3A_152 : i32 to vector<16xi32>
      %shift_right_logical3A_154 = arith.shrui %add3A_147, %shift_right_logical3A_153 : vector<16xi32>
      %or3A_155 = arith.ori %shift_left3A_151, %shift_right_logical3A_154 : vector<16xi32>
      %xor3A_156 = arith.xori %or3A_155, %add3A_148 : vector<16xi32>
      %add3A_157 = arith.addi %add3A_148, %xor3A_156 : vector<16xi32>
      %shift_left3A_158 = arith.constant 29 : i32
      %shift_left3A_159 = vector.broadcast %shift_left3A_158 : i32 to vector<16xi32>
      %shift_left3A_160 = arith.shli %xor3A_156, %shift_left3A_159 : vector<16xi32>
      %shift_right_logical3A_161 = arith.constant 3 : i32
      %shift_right_logical3A_162 = vector.broadcast %shift_right_logical3A_161 : i32 to vector<16xi32>
      %shift_right_logical3A_163 = arith.shrui %xor3A_156, %shift_right_logical3A_162 : vector<16xi32>
      %or3A_164 = arith.ori %shift_left3A_160, %shift_right_logical3A_163 : vector<16xi32>
      %xor3A_165 = arith.xori %or3A_164, %add3A_157 : vector<16xi32>
      %add3A_166 = arith.addi %add3A_157, %xor3A_165 : vector<16xi32>
      %shift_left3A_167 = arith.constant 16 : i32
      %shift_left3A_168 = vector.broadcast %shift_left3A_167 : i32 to vector<16xi32>
      %shift_left3A_169 = arith.shli %xor3A_165, %shift_left3A_168 : vector<16xi32>
      %shift_right_logical3A_170 = arith.constant 16 : i32
      %shift_right_logical3A_171 = vector.broadcast %shift_right_logical3A_170 : i32 to vector<16xi32>
      %shift_right_logical3A_172 = arith.shrui %xor3A_165, %shift_right_logical3A_171 : vector<16xi32>
      %or3A_173 = arith.ori %shift_left3A_169, %shift_right_logical3A_172 : vector<16xi32>
      %xor3A_174 = arith.xori %or3A_173, %add3A_166 : vector<16xi32>
      %add3A_175 = arith.addi %add3A_166, %xor3A_174 : vector<16xi32>
      %shift_left3A_176 = arith.constant 24 : i32
      %shift_left3A_177 = vector.broadcast %shift_left3A_176 : i32 to vector<16xi32>
      %shift_left3A_178 = arith.shli %xor3A_174, %shift_left3A_177 : vector<16xi32>
      %shift_right_logical3A_179 = arith.constant 8 : i32
      %shift_right_logical3A_180 = vector.broadcast %shift_right_logical3A_179 : i32 to vector<16xi32>
      %shift_right_logical3A_181 = arith.shrui %xor3A_174, %shift_right_logical3A_180 : vector<16xi32>
      %or3A_182 = arith.ori %shift_left3A_178, %shift_right_logical3A_181 : vector<16xi32>
      %xor3A_183 = arith.xori %or3A_182, %add3A_175 : vector<16xi32>
      %add3A_184 = arith.constant 42 : i32
      %add3A_185 = vector.broadcast %add3A_184 : i32 to vector<16xi32>
      %add3A_186 = arith.addi %add3A_175, %add3A_185 : vector<16xi32>
      %add3A_187 = arith.constant 466689012 : i32
      %add3A_188 = vector.broadcast %add3A_187 : i32 to vector<16xi32>
      %add3A_189 = arith.addi %xor3A_183, %add3A_188 : vector<16xi32>
      %add3A_190 = arith.addi %add3A_186, %add3A_189 : vector<16xi32>
      %shift_left3A_191 = arith.constant 13 : i32
      %shift_left3A_192 = vector.broadcast %shift_left3A_191 : i32 to vector<16xi32>
      %shift_left3A_193 = arith.shli %add3A_189, %shift_left3A_192 : vector<16xi32>
      %shift_right_logical3A_194 = arith.constant 19 : i32
      %shift_right_logical3A_195 = vector.broadcast %shift_right_logical3A_194 : i32 to vector<16xi32>
      %shift_right_logical3A_196 = arith.shrui %add3A_189, %shift_right_logical3A_195 : vector<16xi32>
      %or3A_197 = arith.ori %shift_left3A_193, %shift_right_logical3A_196 : vector<16xi32>
      %xor3A_198 = arith.xori %or3A_197, %add3A_190 : vector<16xi32>
      %add3A_199 = arith.addi %add3A_190, %xor3A_198 : vector<16xi32>
      %shift_left3A_200 = arith.constant 15 : i32
      %shift_left3A_201 = vector.broadcast %shift_left3A_200 : i32 to vector<16xi32>
      %shift_left3A_202 = arith.shli %xor3A_198, %shift_left3A_201 : vector<16xi32>
      %shift_right_logical3A_203 = arith.constant 17 : i32
      %shift_right_logical3A_204 = vector.broadcast %shift_right_logical3A_203 : i32 to vector<16xi32>
      %shift_right_logical3A_205 = arith.shrui %xor3A_198, %shift_right_logical3A_204 : vector<16xi32>
      %or3A_206 = arith.ori %shift_left3A_202, %shift_right_logical3A_205 : vector<16xi32>
      %xor3A_207 = arith.xori %or3A_206, %add3A_199 : vector<16xi32>
      %add3A_208 = arith.addi %add3A_199, %xor3A_207 : vector<16xi32>
      %shift_left3A_209 = arith.constant 26 : i32
      %shift_left3A_210 = vector.broadcast %shift_left3A_209 : i32 to vector<16xi32>
      %shift_left3A_211 = arith.shli %xor3A_207, %shift_left3A_210 : vector<16xi32>
      %shift_right_logical3A_212 = arith.constant 6 : i32
      %shift_right_logical3A_213 = vector.broadcast %shift_right_logical3A_212 : i32 to vector<16xi32>
      %shift_right_logical3A_214 = arith.shrui %xor3A_207, %shift_right_logical3A_213 : vector<16xi32>
      %or3A_215 = arith.ori %shift_left3A_211, %shift_right_logical3A_214 : vector<16xi32>
      %xor3A_216 = arith.xori %or3A_215, %add3A_208 : vector<16xi32>
      %add3A_217 = arith.addi %add3A_208, %xor3A_216 : vector<16xi32>
      %shift_left3A_218 = arith.constant 6 : i32
      %shift_left3A_219 = vector.broadcast %shift_left3A_218 : i32 to vector<16xi32>
      %shift_left3A_220 = arith.shli %xor3A_216, %shift_left3A_219 : vector<16xi32>
      %shift_right_logical3A_221 = arith.constant 26 : i32
      %shift_right_logical3A_222 = vector.broadcast %shift_right_logical3A_221 : i32 to vector<16xi32>
      %shift_right_logical3A_223 = arith.shrui %xor3A_216, %shift_right_logical3A_222 : vector<16xi32>
      %or3A_224 = arith.ori %shift_left3A_220, %shift_right_logical3A_223 : vector<16xi32>
      %xor3A_225 = arith.xori %or3A_224, %add3A_217 : vector<16xi32>
      %add3A_226 = arith.constant 466689008 : i32
      %add3A_227 = vector.broadcast %add3A_226 : i32 to vector<16xi32>
      %add3A_228 = arith.addi %add3A_217, %add3A_227 : vector<16xi32>
      %add3A_229 = arith.constant 5 : i32
      %add3A_230 = vector.broadcast %add3A_229 : i32 to vector<16xi32>
      %add3A_231 = arith.addi %xor3A_225, %add3A_230 : vector<16xi32>
      %add3A_232 = arith.constant 1 : i32
      %add3A_233 = vector.broadcast %add3A_232 : i32 to vector<16xi32>
      %add3A_234 = arith.addi %add3A_17, %add3A_233 : vector<16xi32>
      %add3A_235 = arith.constant 0 : i32
      %add3A_236 = vector.broadcast %add3A_235 : i32 to vector<16xi32>
      %add3A_237 = arith.addi %broadcast_in_dim3A_19, %add3A_236 : vector<16xi32>
      %add3A_238 = arith.constant 42 : i32
      %add3A_239 = vector.broadcast %add3A_238 : i32 to vector<16xi32>
      %add3A_240 = arith.addi %add3A_234, %add3A_239 : vector<16xi32>
      %add3A_241 = arith.addi %add3A_237, %add3A_240 : vector<16xi32>
      %shift_left3A_242 = arith.constant 13 : i32
      %shift_left3A_243 = vector.broadcast %shift_left3A_242 : i32 to vector<16xi32>
      %shift_left3A_244 = arith.shli %add3A_240, %shift_left3A_243 : vector<16xi32>
      %shift_right_logical3A_245 = arith.constant 19 : i32
      %shift_right_logical3A_246 = vector.broadcast %shift_right_logical3A_245 : i32 to vector<16xi32>
      %shift_right_logical3A_247 = arith.shrui %add3A_240, %shift_right_logical3A_246 : vector<16xi32>
      %or3A_248 = arith.ori %shift_left3A_244, %shift_right_logical3A_247 : vector<16xi32>
      %xor3A_249 = arith.xori %or3A_248, %add3A_241 : vector<16xi32>
      %add3A_250 = arith.addi %add3A_241, %xor3A_249 : vector<16xi32>
      %shift_left3A_251 = arith.constant 15 : i32
      %shift_left3A_252 = vector.broadcast %shift_left3A_251 : i32 to vector<16xi32>
      %shift_left3A_253 = arith.shli %xor3A_249, %shift_left3A_252 : vector<16xi32>
      %shift_right_logical3A_254 = arith.constant 17 : i32
      %shift_right_logical3A_255 = vector.broadcast %shift_right_logical3A_254 : i32 to vector<16xi32>
      %shift_right_logical3A_256 = arith.shrui %xor3A_249, %shift_right_logical3A_255 : vector<16xi32>
      %or3A_257 = arith.ori %shift_left3A_253, %shift_right_logical3A_256 : vector<16xi32>
      %xor3A_258 = arith.xori %or3A_257, %add3A_250 : vector<16xi32>
      %add3A_259 = arith.addi %add3A_250, %xor3A_258 : vector<16xi32>
      %shift_left3A_260 = arith.constant 26 : i32
      %shift_left3A_261 = vector.broadcast %shift_left3A_260 : i32 to vector<16xi32>
      %shift_left3A_262 = arith.shli %xor3A_258, %shift_left3A_261 : vector<16xi32>
      %shift_right_logical3A_263 = arith.constant 6 : i32
      %shift_right_logical3A_264 = vector.broadcast %shift_right_logical3A_263 : i32 to vector<16xi32>
      %shift_right_logical3A_265 = arith.shrui %xor3A_258, %shift_right_logical3A_264 : vector<16xi32>
      %or3A_266 = arith.ori %shift_left3A_262, %shift_right_logical3A_265 : vector<16xi32>
      %xor3A_267 = arith.xori %or3A_266, %add3A_259 : vector<16xi32>
      %add3A_268 = arith.addi %add3A_259, %xor3A_267 : vector<16xi32>
      %shift_left3A_269 = arith.constant 6 : i32
      %shift_left3A_270 = vector.broadcast %shift_left3A_269 : i32 to vector<16xi32>
      %shift_left3A_271 = arith.shli %xor3A_267, %shift_left3A_270 : vector<16xi32>
      %shift_right_logical3A_272 = arith.constant 26 : i32
      %shift_right_logical3A_273 = vector.broadcast %shift_right_logical3A_272 : i32 to vector<16xi32>
      %shift_right_logical3A_274 = arith.shrui %xor3A_267, %shift_right_logical3A_273 : vector<16xi32>
      %or3A_275 = arith.ori %shift_left3A_271, %shift_right_logical3A_274 : vector<16xi32>
      %xor3A_276 = arith.xori %or3A_275, %add3A_268 : vector<16xi32>
      %add3A_277 = arith.constant 42 : i32
      %add3A_278 = vector.broadcast %add3A_277 : i32 to vector<16xi32>
      %add3A_279 = arith.addi %add3A_268, %add3A_278 : vector<16xi32>
      %add3A_280 = arith.constant 466689009 : i32
      %add3A_281 = vector.broadcast %add3A_280 : i32 to vector<16xi32>
      %add3A_282 = arith.addi %xor3A_276, %add3A_281 : vector<16xi32>
      %add3A_283 = arith.addi %add3A_279, %add3A_282 : vector<16xi32>
      %shift_left3A_284 = arith.constant 17 : i32
      %shift_left3A_285 = vector.broadcast %shift_left3A_284 : i32 to vector<16xi32>
      %shift_left3A_286 = arith.shli %add3A_282, %shift_left3A_285 : vector<16xi32>
      %shift_right_logical3A_287 = arith.constant 15 : i32
      %shift_right_logical3A_288 = vector.broadcast %shift_right_logical3A_287 : i32 to vector<16xi32>
      %shift_right_logical3A_289 = arith.shrui %add3A_282, %shift_right_logical3A_288 : vector<16xi32>
      %or3A_290 = arith.ori %shift_left3A_286, %shift_right_logical3A_289 : vector<16xi32>
      %xor3A_291 = arith.xori %or3A_290, %add3A_283 : vector<16xi32>
      %add3A_292 = arith.addi %add3A_283, %xor3A_291 : vector<16xi32>
      %shift_left3A_293 = arith.constant 29 : i32
      %shift_left3A_294 = vector.broadcast %shift_left3A_293 : i32 to vector<16xi32>
      %shift_left3A_295 = arith.shli %xor3A_291, %shift_left3A_294 : vector<16xi32>
      %shift_right_logical3A_296 = arith.constant 3 : i32
      %shift_right_logical3A_297 = vector.broadcast %shift_right_logical3A_296 : i32 to vector<16xi32>
      %shift_right_logical3A_298 = arith.shrui %xor3A_291, %shift_right_logical3A_297 : vector<16xi32>
      %or3A_299 = arith.ori %shift_left3A_295, %shift_right_logical3A_298 : vector<16xi32>
      %xor3A_300 = arith.xori %or3A_299, %add3A_292 : vector<16xi32>
      %add3A_301 = arith.addi %add3A_292, %xor3A_300 : vector<16xi32>
      %shift_left3A_302 = arith.constant 16 : i32
      %shift_left3A_303 = vector.broadcast %shift_left3A_302 : i32 to vector<16xi32>
      %shift_left3A_304 = arith.shli %xor3A_300, %shift_left3A_303 : vector<16xi32>
      %shift_right_logical3A_305 = arith.constant 16 : i32
      %shift_right_logical3A_306 = vector.broadcast %shift_right_logical3A_305 : i32 to vector<16xi32>
      %shift_right_logical3A_307 = arith.shrui %xor3A_300, %shift_right_logical3A_306 : vector<16xi32>
      %or3A_308 = arith.ori %shift_left3A_304, %shift_right_logical3A_307 : vector<16xi32>
      %xor3A_309 = arith.xori %or3A_308, %add3A_301 : vector<16xi32>
      %add3A_310 = arith.addi %add3A_301, %xor3A_309 : vector<16xi32>
      %shift_left3A_311 = arith.constant 24 : i32
      %shift_left3A_312 = vector.broadcast %shift_left3A_311 : i32 to vector<16xi32>
      %shift_left3A_313 = arith.shli %xor3A_309, %shift_left3A_312 : vector<16xi32>
      %shift_right_logical3A_314 = arith.constant 8 : i32
      %shift_right_logical3A_315 = vector.broadcast %shift_right_logical3A_314 : i32 to vector<16xi32>
      %shift_right_logical3A_316 = arith.shrui %xor3A_309, %shift_right_logical3A_315 : vector<16xi32>
      %or3A_317 = arith.ori %shift_left3A_313, %shift_right_logical3A_316 : vector<16xi32>
      %xor3A_318 = arith.xori %or3A_317, %add3A_310 : vector<16xi32>
      %add3A_319 = arith.constant 466689008 : i32
      %add3A_320 = vector.broadcast %add3A_319 : i32 to vector<16xi32>
      %add3A_321 = arith.addi %add3A_310, %add3A_320 : vector<16xi32>
      %add3A_322 = arith.constant 2 : i32
      %add3A_323 = vector.broadcast %add3A_322 : i32 to vector<16xi32>
      %add3A_324 = arith.addi %xor3A_318, %add3A_323 : vector<16xi32>
      %add3A_325 = arith.addi %add3A_321, %add3A_324 : vector<16xi32>
      %shift_left3A_326 = arith.constant 13 : i32
      %shift_left3A_327 = vector.broadcast %shift_left3A_326 : i32 to vector<16xi32>
      %shift_left3A_328 = arith.shli %add3A_324, %shift_left3A_327 : vector<16xi32>
      %shift_right_logical3A_329 = arith.constant 19 : i32
      %shift_right_logical3A_330 = vector.broadcast %shift_right_logical3A_329 : i32 to vector<16xi32>
      %shift_right_logical3A_331 = arith.shrui %add3A_324, %shift_right_logical3A_330 : vector<16xi32>
      %or3A_332 = arith.ori %shift_left3A_328, %shift_right_logical3A_331 : vector<16xi32>
      %xor3A_333 = arith.xori %or3A_332, %add3A_325 : vector<16xi32>
      %add3A_334 = arith.addi %add3A_325, %xor3A_333 : vector<16xi32>
      %shift_left3A_335 = arith.constant 15 : i32
      %shift_left3A_336 = vector.broadcast %shift_left3A_335 : i32 to vector<16xi32>
      %shift_left3A_337 = arith.shli %xor3A_333, %shift_left3A_336 : vector<16xi32>
      %shift_right_logical3A_338 = arith.constant 17 : i32
      %shift_right_logical3A_339 = vector.broadcast %shift_right_logical3A_338 : i32 to vector<16xi32>
      %shift_right_logical3A_340 = arith.shrui %xor3A_333, %shift_right_logical3A_339 : vector<16xi32>
      %or3A_341 = arith.ori %shift_left3A_337, %shift_right_logical3A_340 : vector<16xi32>
      %xor3A_342 = arith.xori %or3A_341, %add3A_334 : vector<16xi32>
      %add3A_343 = arith.addi %add3A_334, %xor3A_342 : vector<16xi32>
      %shift_left3A_344 = arith.constant 26 : i32
      %shift_left3A_345 = vector.broadcast %shift_left3A_344 : i32 to vector<16xi32>
      %shift_left3A_346 = arith.shli %xor3A_342, %shift_left3A_345 : vector<16xi32>
      %shift_right_logical3A_347 = arith.constant 6 : i32
      %shift_right_logical3A_348 = vector.broadcast %shift_right_logical3A_347 : i32 to vector<16xi32>
      %shift_right_logical3A_349 = arith.shrui %xor3A_342, %shift_right_logical3A_348 : vector<16xi32>
      %or3A_350 = arith.ori %shift_left3A_346, %shift_right_logical3A_349 : vector<16xi32>
      %xor3A_351 = arith.xori %or3A_350, %add3A_343 : vector<16xi32>
      %add3A_352 = arith.addi %add3A_343, %xor3A_351 : vector<16xi32>
      %shift_left3A_353 = arith.constant 6 : i32
      %shift_left3A_354 = vector.broadcast %shift_left3A_353 : i32 to vector<16xi32>
      %shift_left3A_355 = arith.shli %xor3A_351, %shift_left3A_354 : vector<16xi32>
      %shift_right_logical3A_356 = arith.constant 26 : i32
      %shift_right_logical3A_357 = vector.broadcast %shift_right_logical3A_356 : i32 to vector<16xi32>
      %shift_right_logical3A_358 = arith.shrui %xor3A_351, %shift_right_logical3A_357 : vector<16xi32>
      %or3A_359 = arith.ori %shift_left3A_355, %shift_right_logical3A_358 : vector<16xi32>
      %xor3A_360 = arith.xori %or3A_359, %add3A_352 : vector<16xi32>
      %add3A_361 = arith.constant 0 : i32
      %add3A_362 = vector.broadcast %add3A_361 : i32 to vector<16xi32>
      %add3A_363 = arith.addi %add3A_352, %add3A_362 : vector<16xi32>
      %add3A_364 = arith.constant 45 : i32
      %add3A_365 = vector.broadcast %add3A_364 : i32 to vector<16xi32>
      %add3A_366 = arith.addi %xor3A_360, %add3A_365 : vector<16xi32>
      %add3A_367 = arith.addi %add3A_363, %add3A_366 : vector<16xi32>
      %shift_left3A_368 = arith.constant 17 : i32
      %shift_left3A_369 = vector.broadcast %shift_left3A_368 : i32 to vector<16xi32>
      %shift_left3A_370 = arith.shli %add3A_366, %shift_left3A_369 : vector<16xi32>
      %shift_right_logical3A_371 = arith.constant 15 : i32
      %shift_right_logical3A_372 = vector.broadcast %shift_right_logical3A_371 : i32 to vector<16xi32>
      %shift_right_logical3A_373 = arith.shrui %add3A_366, %shift_right_logical3A_372 : vector<16xi32>
      %or3A_374 = arith.ori %shift_left3A_370, %shift_right_logical3A_373 : vector<16xi32>
      %xor3A_375 = arith.xori %or3A_374, %add3A_367 : vector<16xi32>
      %add3A_376 = arith.addi %add3A_367, %xor3A_375 : vector<16xi32>
      %shift_left3A_377 = arith.constant 29 : i32
      %shift_left3A_378 = vector.broadcast %shift_left3A_377 : i32 to vector<16xi32>
      %shift_left3A_379 = arith.shli %xor3A_375, %shift_left3A_378 : vector<16xi32>
      %shift_right_logical3A_380 = arith.constant 3 : i32
      %shift_right_logical3A_381 = vector.broadcast %shift_right_logical3A_380 : i32 to vector<16xi32>
      %shift_right_logical3A_382 = arith.shrui %xor3A_375, %shift_right_logical3A_381 : vector<16xi32>
      %or3A_383 = arith.ori %shift_left3A_379, %shift_right_logical3A_382 : vector<16xi32>
      %xor3A_384 = arith.xori %or3A_383, %add3A_376 : vector<16xi32>
      %add3A_385 = arith.addi %add3A_376, %xor3A_384 : vector<16xi32>
      %shift_left3A_386 = arith.constant 16 : i32
      %shift_left3A_387 = vector.broadcast %shift_left3A_386 : i32 to vector<16xi32>
      %shift_left3A_388 = arith.shli %xor3A_384, %shift_left3A_387 : vector<16xi32>
      %shift_right_logical3A_389 = arith.constant 16 : i32
      %shift_right_logical3A_390 = vector.broadcast %shift_right_logical3A_389 : i32 to vector<16xi32>
      %shift_right_logical3A_391 = arith.shrui %xor3A_384, %shift_right_logical3A_390 : vector<16xi32>
      %or3A_392 = arith.ori %shift_left3A_388, %shift_right_logical3A_391 : vector<16xi32>
      %xor3A_393 = arith.xori %or3A_392, %add3A_385 : vector<16xi32>
      %add3A_394 = arith.addi %add3A_385, %xor3A_393 : vector<16xi32>
      %shift_left3A_395 = arith.constant 24 : i32
      %shift_left3A_396 = vector.broadcast %shift_left3A_395 : i32 to vector<16xi32>
      %shift_left3A_397 = arith.shli %xor3A_393, %shift_left3A_396 : vector<16xi32>
      %shift_right_logical3A_398 = arith.constant 8 : i32
      %shift_right_logical3A_399 = vector.broadcast %shift_right_logical3A_398 : i32 to vector<16xi32>
      %shift_right_logical3A_400 = arith.shrui %xor3A_393, %shift_right_logical3A_399 : vector<16xi32>
      %or3A_401 = arith.ori %shift_left3A_397, %shift_right_logical3A_400 : vector<16xi32>
      %xor3A_402 = arith.xori %or3A_401, %add3A_394 : vector<16xi32>
      %add3A_403 = arith.constant 42 : i32
      %add3A_404 = vector.broadcast %add3A_403 : i32 to vector<16xi32>
      %add3A_405 = arith.addi %add3A_394, %add3A_404 : vector<16xi32>
      %add3A_406 = arith.constant 466689012 : i32
      %add3A_407 = vector.broadcast %add3A_406 : i32 to vector<16xi32>
      %add3A_408 = arith.addi %xor3A_402, %add3A_407 : vector<16xi32>
      %add3A_409 = arith.addi %add3A_405, %add3A_408 : vector<16xi32>
      %shift_left3A_410 = arith.constant 13 : i32
      %shift_left3A_411 = vector.broadcast %shift_left3A_410 : i32 to vector<16xi32>
      %shift_left3A_412 = arith.shli %add3A_408, %shift_left3A_411 : vector<16xi32>
      %shift_right_logical3A_413 = arith.constant 19 : i32
      %shift_right_logical3A_414 = vector.broadcast %shift_right_logical3A_413 : i32 to vector<16xi32>
      %shift_right_logical3A_415 = arith.shrui %add3A_408, %shift_right_logical3A_414 : vector<16xi32>
      %or3A_416 = arith.ori %shift_left3A_412, %shift_right_logical3A_415 : vector<16xi32>
      %xor3A_417 = arith.xori %or3A_416, %add3A_409 : vector<16xi32>
      %add3A_418 = arith.addi %add3A_409, %xor3A_417 : vector<16xi32>
      %shift_left3A_419 = arith.constant 15 : i32
      %shift_left3A_420 = vector.broadcast %shift_left3A_419 : i32 to vector<16xi32>
      %shift_left3A_421 = arith.shli %xor3A_417, %shift_left3A_420 : vector<16xi32>
      %shift_right_logical3A_422 = arith.constant 17 : i32
      %shift_right_logical3A_423 = vector.broadcast %shift_right_logical3A_422 : i32 to vector<16xi32>
      %shift_right_logical3A_424 = arith.shrui %xor3A_417, %shift_right_logical3A_423 : vector<16xi32>
      %or3A_425 = arith.ori %shift_left3A_421, %shift_right_logical3A_424 : vector<16xi32>
      %xor3A_426 = arith.xori %or3A_425, %add3A_418 : vector<16xi32>
      %add3A_427 = arith.addi %add3A_418, %xor3A_426 : vector<16xi32>
      %shift_left3A_428 = arith.constant 26 : i32
      %shift_left3A_429 = vector.broadcast %shift_left3A_428 : i32 to vector<16xi32>
      %shift_left3A_430 = arith.shli %xor3A_426, %shift_left3A_429 : vector<16xi32>
      %shift_right_logical3A_431 = arith.constant 6 : i32
      %shift_right_logical3A_432 = vector.broadcast %shift_right_logical3A_431 : i32 to vector<16xi32>
      %shift_right_logical3A_433 = arith.shrui %xor3A_426, %shift_right_logical3A_432 : vector<16xi32>
      %or3A_434 = arith.ori %shift_left3A_430, %shift_right_logical3A_433 : vector<16xi32>
      %xor3A_435 = arith.xori %or3A_434, %add3A_427 : vector<16xi32>
      %add3A_436 = arith.addi %add3A_427, %xor3A_435 : vector<16xi32>
      %shift_left3A_437 = arith.constant 6 : i32
      %shift_left3A_438 = vector.broadcast %shift_left3A_437 : i32 to vector<16xi32>
      %shift_left3A_439 = arith.shli %xor3A_435, %shift_left3A_438 : vector<16xi32>
      %shift_right_logical3A_440 = arith.constant 26 : i32
      %shift_right_logical3A_441 = vector.broadcast %shift_right_logical3A_440 : i32 to vector<16xi32>
      %shift_right_logical3A_442 = arith.shrui %xor3A_435, %shift_right_logical3A_441 : vector<16xi32>
      %or3A_443 = arith.ori %shift_left3A_439, %shift_right_logical3A_442 : vector<16xi32>
      %xor3A_444 = arith.xori %or3A_443, %add3A_436 : vector<16xi32>
      %add3A_445 = arith.constant 466689008 : i32
      %add3A_446 = vector.broadcast %add3A_445 : i32 to vector<16xi32>
      %add3A_447 = arith.addi %add3A_436, %add3A_446 : vector<16xi32>
      %add3A_448 = arith.constant 5 : i32
      %add3A_449 = vector.broadcast %add3A_448 : i32 to vector<16xi32>
      %add3A_450 = arith.addi %xor3A_444, %add3A_449 : vector<16xi32>
      %xor3A_451 = arith.xori %add3A_228, %add3A_231 : vector<16xi32>
      %mul3A_452 = arith.constant 16 : i32
      %mul3A_453 = arith.muli %scan3A_8, %mul3A_452 : i32
      %swap3A = arith.index_cast %mul3A_453 : i32 to index
      %swap3A_454 = tpu.vector_load %arg4[%swap3A] {strides = array<i32>} : memref<512xi32, #tpu.memory_space<vmem>>, vector<16xi32>,
      %swap3A_455 = vector.shape_cast %swap3A_454 : vector<16xi32> to vector<16xi32>
      %swap3A_456 = vector.shape_cast %xor3A_451 : vector<16xi32> to vector<16xi32>
      tpu.vector_store %arg4[%swap3A], %swap3A_456 {strides = array<i32>} : memref<512xi32, #tpu.memory_space<vmem>>, vector<16xi32>,
      %xor3A_457 = arith.xori %add3A_447, %add3A_450 : vector<16xi32>
      %mul3A_458 = arith.constant 16 : i32
      %mul3A_459 = arith.muli %scan3A_8, %mul3A_458 : i32
      %swap3A_460 = arith.index_cast %mul3A_459 : i32 to index
      %swap3A_461 = tpu.vector_load %arg5[%swap3A_460] {strides = array<i32>} : memref<512xi32, #tpu.memory_space<vmem>>, vector<16xi32>,
      %swap3A_462 = vector.shape_cast %swap3A_461 : vector<16xi32> to vector<16xi32>
      %swap3A_463 = vector.shape_cast %xor3A_457 : vector<16xi32> to vector<16xi32>
      tpu.vector_store %arg5[%swap3A_460], %swap3A_463 {strides = array<i32>} : memref<512xi32, #tpu.memory_space<vmem>>, vector<16xi32>,
    }
    %scan3A_7 = arith.constant 32 : i32
    "tpu.region"() ({
      %run_scoped3A = tpu.sem_alloc : memref<!tpu.dma_semaphore, #tpu.memory_space<semaphore_mem>>
      %dma_start3A = tpu.memref_slice %arg2[%mul3A_2] : memref<16384xi32, #tpu.memory_space<hbm>> -> memref<512xi32, #tpu.memory_space<hbm>>
      %dma_start3A_8 = tpu.memref_slice %arg2[%mul3A_2] : memref<16384xi32, #tpu.memory_space<hbm>> -> memref<512xi32, #tpu.memory_space<hbm>>
      tpu.enqueue_dma source(%arg4 : memref<512xi32, #tpu.memory_space<vmem>>) target(%dma_start3A_8 : memref<512xi32, #tpu.memory_space<hbm>>) target_semaphore(%run_scoped3A : memref<!tpu.dma_semaphore, #tpu.memory_space<semaphore_mem>>)
      %dma_wait3A = tpu.memref_slice %arg2[%mul3A_2] : memref<16384xi32, #tpu.memory_space<hbm>> -> memref<512xi32, #tpu.memory_space<hbm>>
      %dma_wait3A_9 = tpu.memref_slice %arg2[%mul3A_2] : memref<16384xi32, #tpu.memory_space<hbm>> -> memref<512xi32, #tpu.memory_space<hbm>>
      tpu.wait_dma2 semaphore(%run_scoped3A : memref<!tpu.dma_semaphore, #tpu.memory_space<semaphore_mem>>) src(%arg4 : memref<512xi32, #tpu.memory_space<vmem>>) dst(%dma_wait3A_9 : memref<512xi32, #tpu.memory_space<hbm>>)
      tpu.yield
    }) : () -> ()
    "tpu.region"() ({
      %run_scoped3A = tpu.sem_alloc : memref<!tpu.dma_semaphore, #tpu.memory_space<semaphore_mem>>
      %dma_start3A = tpu.memref_slice %arg3[%mul3A_2] : memref<16384xi32, #tpu.memory_space<hbm>> -> memref<512xi32, #tpu.memory_space<hbm>>
      %dma_start3A_8 = tpu.memref_slice %arg3[%mul3A_2] : memref<16384xi32, #tpu.memory_space<hbm>> -> memref<512xi32, #tpu.memory_space<hbm>>
      tpu.enqueue_dma source(%arg5 : memref<512xi32, #tpu.memory_space<vmem>>) target(%dma_start3A_8 : memref<512xi32, #tpu.memory_space<hbm>>) target_semaphore(%run_scoped3A : memref<!tpu.dma_semaphore, #tpu.memory_space<semaphore_mem>>)
      %dma_wait3A = tpu.memref_slice %arg3[%mul3A_2] : memref<16384xi32, #tpu.memory_space<hbm>> -> memref<512xi32, #tpu.memory_space<hbm>>
      %dma_wait3A_9 = tpu.memref_slice %arg3[%mul3A_2] : memref<16384xi32, #tpu.memory_space<hbm>> -> memref<512xi32, #tpu.memory_space<hbm>>
      tpu.wait_dma2 semaphore(%run_scoped3A : memref<!tpu.dma_semaphore, #tpu.memory_space<semaphore_mem>>) src(%arg5 : memref<512xi32, #tpu.memory_space<vmem>>) dst(%dma_wait3A_9 : memref<512xi32, #tpu.memory_space<hbm>>)
      tpu.yield
    }) : () -> ()
    return
  }
}

module attributes {stable_mosaic.version = 14 : i64} {
  func.func @_combine_body(%arg0: memref<128x128xf32, #tpu.memory_space<vmem>>, %arg1: memref<128x128xi32, #tpu.memory_space<vmem>>, %arg2: memref<128x128xi32, #tpu.memory_space<vmem>>, %arg3: memref<128x128xf32, #tpu.memory_space<vmem>>) attributes {dimension_semantics = [], scalar_prefetch = 0 : i64, scratch_operands = 0 : i64, tpu.core_type = #tpu.core_type<tc>} {
    %get3A = arith.constant 0 : index
    %get3A_0 = arith.constant 0 : index
    %get3A_1 = vector.load %arg0[%get3A, %get3A_0] : memref<128x128xf32, #tpu.memory_space<vmem>>, vector<128x128xf32>
    %get3A_2 = arith.constant 0 : index
    %get3A_3 = arith.constant 0 : index
    %get3A_4 = vector.load %arg1[%get3A_2, %get3A_3] : memref<128x128xi32, #tpu.memory_space<vmem>>, vector<128x128xi32>
    %bitcast_convert_type3A = tpu.bitcast %get3A_4 : vector<128x128xi32> -> vector<128x128xi32>
    %shift_right_logical3A = arith.constant 9 : i32
    %shift_right_logical3A_5 = vector.broadcast %shift_right_logical3A : i32 to vector<128x128xi32>
    %shift_right_logical3A_6 = arith.shrui %bitcast_convert_type3A, %shift_right_logical3A_5 : vector<128x128xi32>
    %or3A = arith.constant 1065353216 : i32
    %or3A_7 = vector.broadcast %or3A : i32 to vector<128x128xi32>
    %or3A_8 = arith.ori %shift_right_logical3A_6, %or3A_7 : vector<128x128xi32>
    %bitcast_convert_type3A_9 = tpu.bitcast %or3A_8 : vector<128x128xi32> -> vector<128x128xf32>
    %sub3A = arith.constant 1.000000e+00 : f32
    %sub3A_10 = vector.broadcast %sub3A : f32 to vector<128x128xf32>
    %sub3A_11 = arith.subf %bitcast_convert_type3A_9, %sub3A_10 : vector<128x128xf32>
    %mul3A = arith.constant 1.000000e+00 : f32
    %mul3A_12 = vector.broadcast %mul3A : f32 to vector<128x128xf32>
    %mul3A_13 = arith.mulf %sub3A_11, %mul3A_12 : vector<128x128xf32>
    %add3A = arith.constant 1.17549435E-38 : f32
    %add3A_14 = vector.broadcast %add3A : f32 to vector<128x128xf32>
    %add3A_15 = arith.addf %mul3A_13, %add3A_14 : vector<128x128xf32>
    %max3A = arith.constant 1.17549435E-38 : f32
    %max3A_16 = vector.broadcast %max3A : f32 to vector<128x128xf32>
    %max3A_17 = arith.maximumf %max3A_16, %add3A_15 : vector<128x128xf32>
    %log3A = math.log %max3A_17 : vector<128x128xf32>
    %neg3A = arith.constant 0.000000e+00 : f32
    %neg3A_18 = vector.broadcast %neg3A : f32 to vector<128x128xf32>
    %neg3A_19 = arith.subf %neg3A_18, %log3A : vector<128x128xf32>
    %log3A_20 = math.log %neg3A_19 : vector<128x128xf32>
    %neg3A_21 = arith.constant 0.000000e+00 : f32
    %neg3A_22 = vector.broadcast %neg3A_21 : f32 to vector<128x128xf32>
    %neg3A_23 = arith.subf %neg3A_22, %log3A_20 : vector<128x128xf32>
    %get3A_24 = arith.constant 0 : index
    %get3A_25 = arith.constant 0 : index
    %get3A_26 = vector.load %arg2[%get3A_24, %get3A_25] : memref<128x128xi32, #tpu.memory_space<vmem>>, vector<128x128xi32>
    %bitcast_convert_type3A_27 = tpu.bitcast %get3A_26 : vector<128x128xi32> -> vector<128x128xi32>
    %shift_right_logical3A_28 = arith.constant 9 : i32
    %shift_right_logical3A_29 = vector.broadcast %shift_right_logical3A_28 : i32 to vector<128x128xi32>
    %shift_right_logical3A_30 = arith.shrui %bitcast_convert_type3A_27, %shift_right_logical3A_29 : vector<128x128xi32>
    %or3A_31 = arith.constant 1065353216 : i32
    %or3A_32 = vector.broadcast %or3A_31 : i32 to vector<128x128xi32>
    %or3A_33 = arith.ori %shift_right_logical3A_30, %or3A_32 : vector<128x128xi32>
    %bitcast_convert_type3A_34 = tpu.bitcast %or3A_33 : vector<128x128xi32> -> vector<128x128xf32>
    %sub3A_35 = arith.constant 1.000000e+00 : f32
    %sub3A_36 = vector.broadcast %sub3A_35 : f32 to vector<128x128xf32>
    %sub3A_37 = arith.subf %bitcast_convert_type3A_34, %sub3A_36 : vector<128x128xf32>
    %mul3A_38 = arith.constant 1.000000e+00 : f32
    %mul3A_39 = vector.broadcast %mul3A_38 : f32 to vector<128x128xf32>
    %mul3A_40 = arith.mulf %sub3A_37, %mul3A_39 : vector<128x128xf32>
    %add3A_41 = arith.constant 1.17549435E-38 : f32
    %add3A_42 = vector.broadcast %add3A_41 : f32 to vector<128x128xf32>
    %add3A_43 = arith.addf %mul3A_40, %add3A_42 : vector<128x128xf32>
    %max3A_44 = arith.constant 1.17549435E-38 : f32
    %max3A_45 = vector.broadcast %max3A_44 : f32 to vector<128x128xf32>
    %max3A_46 = arith.maximumf %max3A_45, %add3A_43 : vector<128x128xf32>
    %log3A_47 = math.log %max3A_46 : vector<128x128xf32>
    %neg3A_48 = arith.constant 0.000000e+00 : f32
    %neg3A_49 = vector.broadcast %neg3A_48 : f32 to vector<128x128xf32>
    %neg3A_50 = arith.subf %neg3A_49, %log3A_47 : vector<128x128xf32>
    %log3A_51 = math.log %neg3A_50 : vector<128x128xf32>
    %neg3A_52 = arith.constant 0.000000e+00 : f32
    %neg3A_53 = vector.broadcast %neg3A_52 : f32 to vector<128x128xf32>
    %neg3A_54 = arith.subf %neg3A_53, %log3A_51 : vector<128x128xf32>
    %sub3A_55 = arith.constant 1.000000e+00 : f32
    %sub3A_56 = vector.broadcast %sub3A_55 : f32 to vector<128x128xf32>
    %sub3A_57 = arith.subf %sub3A_56, %get3A_1 : vector<128x128xf32>
    %log3A_58 = math.log %sub3A_57 : vector<128x128xf32>
    %add3A_59 = arith.addf %log3A_58, %neg3A_23 : vector<128x128xf32>
    %log3A_60 = math.log %get3A_1 : vector<128x128xf32>
    %add3A_61 = arith.addf %log3A_60, %neg3A_54 : vector<128x128xf32>
    %gt3A = arith.cmpf ogt, %add3A_61, %add3A_59 : vector<128x128xf32>
    %convert_element_type3A = arith.extui %gt3A : vector<128x128xi1> to vector<128x128xi32>
    %convert_element_type3A_62 = arith.sitofp %convert_element_type3A : vector<128x128xi32> to vector<128x128xf32>
    %swap3A = arith.constant 0 : index
    %swap3A_63 = arith.constant 0 : index
    %swap3A_64 = vector.load %arg3[%swap3A, %swap3A_63] : memref<128x128xf32, #tpu.memory_space<vmem>>, vector<128x128xf32>
    tpu.vector_store %arg3[%swap3A, %swap3A_63], %convert_element_type3A_62 {strides = array<i32>} : memref<128x128xf32, #tpu.memory_space<vmem>>, vector<128x128xf32>,
    return
  }
}

</mosaic_0001>

<sc_bundles>
// kernel: kernel.4.cloned.1.call-start
scs
__scs_entry_jumppad:
0x0: {  	(pc) =	sbr.rel $0x88, $3  }
0x1: {  	(tag) =	ssettag $0x0;
	lr =	simm.s32 $0x1  }
0x2: {  	[smem:$0x3FA0] =	sst lr;
	_ =	strace $0xD0000000  }
0x3: {  	_ = 	snop  }
0x4: {  	_ = 	snop  }
0x5: {  	_ = 	snop  }
0x6: {  	_ = 	snop  }
0x7: {  	_ = 	snop  }
__scs_overlays_trampoline_lowered:
0x8: {  	[smem:$0x3FAF] =	sst s0  }
0x9: {  	[smem:$0x3FB0] =	sst s1  }
0xa: {  	[smem:$0x3FB1] =	sst s2  }
0xb: {  	[smem:$0x3FB2] =	sst s3  }
0xc: {  	[smem:$0x3FB3] =	sst s4  }
0xd: {  	[smem:$0x3FB4] =	sst s5  }
0xe: {  	[smem:$0x3FB5] =	sst s6  }
0xf: {  	[smem:$0x3FB6] =	sst s7  }
0x10: {  	[smem:$0x3FB7] =	sst s8  }
0x11: {  	[smem:$0x3FB8] =	sst s9;
	s0 =	simm.s32 @!p0 $0x0  }
0x12: {  	s1 =	sld [smem:$0x3F9E];
	s0 =	simm.s32 @p0 $0x1  }
0x13: {  	[smem:$0x3FB9] =	sst s0;
	s0 =	simm.s32 @!p1 $0x0  }
0x14: {  	s2 =	sld [smem:$0x3F9D];
	s0 =	simm.s32 @p1 $0x1  }
0x15: {  	[smem:$0x3FBA] =	sst s0;
	s0 =	simm.s32 @!p2 $0x0  }
0x16: {  	s3 =	sld [smem:$0x3FDB];
	s0 =	simm.s32 @p2 $0x1  }
0x17: {  	s4 =	simm.s32 $0x1BF5;
	[smem:$0x3FBC] =	sst s0  }
0x18: {  	s0 =	sld [smem:$0x3F9F];
	_ =	swait.ge [sflag:s4], $0x0  }
0x19: {  	s7 =	sld [smem:$0x3FA0]  }
0x1a: {  	s8 =	sadd.s32 $0xFFFFE003, lr  }
0x1b: {  	s9 =	sadd.s32 $0xFFFFFEF7, lr;
	s5 =	simm.s32 $0xFFFFFFFF;
	p2 =	slt.u32 s8, $0xFFFFF086  }
0x1c: {  	p1 =	slt.u32 s9, $0xF7A;
	s5 =	simm.s32 @!p2 $0x0  }
0x1d: {  	s5 =	simm.s32 @p1 $0x1;
	p0 =	seq.s32 s7, s2  }
0x1e: {  	s7 =	smul.u32 @!p0 $0xF7A, s2;
	p2 =	seq.s32 @!p0 s5, $0x0  }
0x1f: {  	s9 =	smul.u32 $0xF7A, s1;
	s8 =	simm.s32 @!p0 $0x1BF5;
	p2 =	por !p2, p0  }
0x20: {  	[sflag:s8] =	ssyncset.s32 @!p0 $0xFFFFF086;
	s6 =	sadd.s32 @!p0 s3, s7;
	s7 =	simm.s32 @!p0 $0x108  }
0x21: {  	s3 =	sadd.s32 s3, s9;
	s6 =	sadd.s32 @!p0 $0x88, s6;
	s7 =	simm.s32 @p2 $0x1082  }
0x22: {  	[simem:s7], [sflag:s8] =	dma.local @!p0 [hbm:s6], $0xF7A  }
0x23: {  	s9 =	sor.u32 $0xD0000000, s2;
	s6 =	simm.s32 $0x108;
	_ =	swait.ge @!p0 [sflag:s8], $0x0  }
0x24: {  	s3 =	sadd.s32 $0x88, s3;
	s6 =	simm.s32 @!p1 $0x1082;
	[sflag:s4] =	ssyncset.s32 $0xFFFFF086  }
0x25: {  	[simem:s6], [sflag:s4] =	dma.local [hbm:s3], $0xF7A  }
0x26: {  	[smem:$0x3FA0] =	sst s1;
	(tag) =	ssettag s2;
	_ =	strace s9  }
0x27: {  	s1 =	sld [smem:$0x3FB0]  }
0x28: {  	s2 =	sld [smem:$0x3FB1]  }
0x29: {  	s4 =	sld [smem:$0x3FB3]  }
0x2a: {  	p0 =	seq.s32 s5, $0x0;
	s5 =	sld [smem:$0x3FB4]  }
0x2b: {  	s6 =	sld [smem:$0x3FB5]  }
0x2c: {  	s7 =	sld [smem:$0x3FB6]  }
0x2d: {  	s3 =	simm.s32 $0x108;
	s8 =	sld [smem:$0x3FB7]  }
0x2e: {  	s3 =	simm.s32 @!p0 $0x1082;
	s9 =	sld [smem:$0x3FB8]  }
0x2f: {  	lr =	sadd.s32 s0, s3;
	s0 =	sld [smem:$0x3FAF]  }
0x30: {  	s3 =	sld [smem:$0x3FB2]  }
0x31: {  	[smem:$0x3FBB] =	sst s10  }
0x32: {  	s10 =	sld [smem:$0x3FB9];
	_ =	sdelay $0x3  }
0x33: {  	p0 =	seq.s32 s10, $0x1;
	s10 =	sld [smem:$0x3FBB];
	_ =	sdelay $0x3  }
0x34: {  	[smem:$0x3FBB] =	sst s10  }
0x35: {  	s10 =	sld [smem:$0x3FBA];
	_ =	sdelay $0x3  }
0x36: {  	p1 =	seq.s32 s10, $0x1;
	s10 =	sld [smem:$0x3FBB];
	_ =	sdelay $0x3  }
0x37: {  	[smem:$0x3FBB] =	sst s10  }
0x38: {  	s10 =	sld [smem:$0x3FBC]  }
0x39: {  	_ = 	snop;
	(pc) =	sbr.ind lr, $3  }
0x3a: {  	_ = 	snop  }
0x3b: {  	_ = 	snop  }
0x3c: {  	p2 =	seq.s32 s10, $0x1;
	s10 =	sld [smem:$0x3FBB]  }
0x3d: {  	_ =	shalt  }
0x3e: {  	_ =	shalt  }
0x3f: {  	_ =	shalt  }
0x40: {  	_ =	shalt  }
0x41: {  	_ =	shalt  }
0x42: {  	_ =	shalt  }
0x43: {  	_ =	shalt  }
0x44: {  	_ =	shalt  }
0x45: {  	_ =	shalt  }
0x46: {  	_ =	shalt  }
0x47: {  	_ =	shalt  }
0x48: {  	_ =	shalt  }
0x49: {  	_ =	shalt  }
0x4a: {  	_ =	shalt  }
0x4b: {  	_ =	shalt  }
0x4c: {  	_ =	shalt  }
0x4d: {  	_ =	shalt  }
0x4e: {  	_ =	shalt  }
0x4f: {  	_ =	shalt  }
0x50: {  	_ =	shalt  }
0x51: {  	_ =	shalt  }
0x52: {  	_ =	shalt  }
0x53: {  	_ =	shalt  }
0x54: {  	_ =	shalt  }
0x55: {  	_ =	shalt  }
0x56: {  	_ =	shalt  }
0x57: {  	_ =	shalt  }
0x58: {  	_ =	shalt  }
0x59: {  	_ =	shalt  }
0x5a: {  	_ =	shalt  }
0x5b: {  	_ =	shalt  }
0x5c: {  	_ =	shalt  }
0x5d: {  	_ =	shalt  }
0x5e: {  	_ =	shalt  }
0x5f: {  	_ =	shalt  }
0x60: {  	_ =	shalt  }
0x61: {  	_ =	shalt  }
0x62: {  	_ =	shalt  }
0x63: {  	_ =	shalt  }
0x64: {  	_ =	shalt  }
0x65: {  	_ =	shalt  }
0x66: {  	_ =	shalt  }
0x67: {  	_ =	shalt  }
0x68: {  	_ =	shalt  }
0x69: {  	_ =	shalt  }
0x6a: {  	_ =	shalt  }
0x6b: {  	_ =	shalt  }
0x6c: {  	_ =	shalt  }
0x6d: {  	_ =	shalt  }
0x6e: {  	_ =	shalt  }
0x6f: {  	_ =	shalt  }
0x70: {  	_ =	shalt  }
0x71: {  	_ =	shalt  }
0x72: {  	_ =	shalt  }
0x73: {  	_ =	shalt  }
0x74: {  	_ =	shalt  }
0x75: {  	_ =	shalt  }
0x76: {  	_ =	shalt  }
0x77: {  	_ =	shalt  }
0x78: {  	_ =	shalt  }
0x79: {  	_ =	shalt  }
0x7a: {  	_ =	shalt  }
0x7b: {  	_ =	shalt  }
0x7c: {  	_ =	shalt  }
0x7d: {  	_ =	shalt  }
0x7e: {  	_ =	shalt  }
0x7f: {  	_ =	shalt  }
0x80: {  	_ =	shalt  }
0x81: {  	_ =	shalt  }
0x82: {  	_ =	shalt  }
0x83: {  	_ =	shalt  }
0x84: {  	_ =	shalt  }
0x85: {  	_ =	shalt  }
0x86: {  	_ =	shalt  }
0x87: {  	_ =	shalt  }
.Lfunc_end0:
.L_simem_size_0:
called_computation_lowered:
.L_overlay_start_0:
0x88: {  	s2 =	sld [smem:$0x3FD9]  }
0x89: {  	s3 =	sld [smem:$0x3FFE];
	_ =	sdelay $0x1  }
0x8a: {  	s1 =	srdreg.scid  }
0x8b: {  	s0 =	sand.u32 $0x1, s1  }
0x8c: {  	s17 =	sshll.u32 s0, $0xA;
	s2 =	sadd.s32 s3, s2  }
0x8d: {  	s2 =	sadd.s32 s2, s17  }
0x8e: {  	[smem:$0x3FC7] =	sst s2  }
0x8f: {  	_ = 	snop  }
0x90: {  	s2 =	sld [smem:$0x3FD0];
	(tm) =	ssettm $0x1  }
0x91: {  	s18 =	sld [smem:$0x3FFB];
	_ =	sdelay $0x3  }
0x92: {  	_ =	strace s18  }
0x93: {  	s3 =	sld [smem:$0x3FFC];
	_ =	sdelay $0x3  }
0x94: {  	_ =	strace s3  }
0x95: {  	s3 =	sld [smem:$0x3FFD];
	_ =	sdelay $0x3  }
0x96: {  	_ =	strace s3  }
0x97: {  	_ =	strace $0x8FFFFFFF  }
0x98: {  	s19 =	sld [smem:$0x3FDB];
	_ =	sdelay $0x1  }
0x99: {  	s4 =	simm.s32 $_scs_section_size  }
0x9a: {  	s5 =	simm.s32 $_size__tile_overlayer_lowered;
	s6 =	simm.s32 $_tile_overlayer_lowered  }
0x9b: {  	s22 =	simm.s32 $0x1BFF;
	s21 =	sshll.u32 s6, $0x1;
	s3 =	sadd.s32 s4, s19  }
0x9c: {  	s7 =	simm.s32 $0x0;
	s20 =	sshll.u32 s5, $0x1;
	s5 =	sadd.s32 s21, s3  }
0x9d: {  	[timem:s7], [sflag:s22] =	dma.local [hbm:s5], s20  }
0x9e: {  	_ =	swait.ge [sflag:s22], s20  }
0x9f: {  	s4 =	ssub.s32 $0x0, s20;
	[sflag:s22] =	ssyncset.done $0x0  }
0xa0: {  	[sflag:s22] =	ssyncadd.s32 s4;
	_ =	sdelay $0x1  }
0xa1: {  	s23 =	simm.s32 $0x1B8B  }
0xa2: {  	_ =	swait.ge [sflag:s23], $0x1  }
0xa3: {  	[sflag:s23] =	ssyncset.done $0x0  }
0xa4: {  	s25 =	simm.s32 $0x1B8E;
	s24 =	sld [smem:$0x3FFE];
	[sflag:s23] =	ssyncadd.s32 $0xFFFFFFFF  }
0xa5: {  	s26 =	simm.s32 $execute0_lowered;
	[smem:$0x3FD2] =	sst s25  }
0xa6: {  	s5 =	sshll.u32 s26, $0x1;
	_ =	strace $0x80000046;
	[dreg:$0x1] =	wrdreg $0xFFFFFFFF  }
0xa7: {  	s28 =	simm.s32 $_size_execute0_lowered;
	s3 =	sadd.s32 s3, s5;
	[dreg:$0x0] =	wrdreg $0x0  }
0xa8: {  	s5 =	sshll.u32 s28, $0x1;
	[dreg:$0x2] =	wrdreg s3  }
0xa9: {  	[dreg:$0x3] =	wrdreg s5  }
0xaa: {  	[dreg:$0x4] =	wrdreg $0xC0  }
0xab: {  	_ =	task [dreg:s7], $0x5FFFF  }
0xac: {  	[dreg:$0x1] =	wrdreg $0xFFFFFFFF  }
0xad: {  	[dreg:$0x0] =	wrdreg $0x60  }
0xae: {  	[dreg:$0x2] =	wrdreg s2  }
0xaf: {  	[dreg:$0x3] =	wrdreg s24  }
0xb0: {  	[dreg:$0x4] =	wrdreg $0x9  }
0xb1: {  	_ =	task.clear_ibuf [dreg:s7], $0x5FFFF;
	_ =	strace $0x90000046  }
0xb2: {  	s29 =	simm.s32 $0x9;
	_ =	strace $0x80000048  }
0xb3: {  	_ =	swait.ge [sflag:s29], $0x1  }
0xb4: {  	[sflag:s29] =	ssyncadd.s32 $0xFFFFFFFF  }
0xb5: {  	_ =	strace $0x90000048  }
0xb6: {  	_ =	sfence  }
0xb7: {  	s30 =	sld [smem:$0x0];
	_ =	sdelay $0x2  }
0xb8: {  	s31 =	sshll.u32 s1, $0xD;
	s1 =	sshrl.u32 s1, $0x2  }
0xb9: {  	s3 =	sand.u32 $0x4000, s31;
	s1 =	sadd.s32 s1, s30  }
0xba: {  	s0 =	sor.u32 s3, s0;
	s1 =	sshll.u32 s1, $0x11  }
0xbb: {  	s0 =	sor.u32 s1, s0  }
0xbc: {  	s0 =	sadd.s32 $0x8F2B, s0  }
0xbd: {  	[sflag:s0] =	ssyncadd.remote.s32 $0x1  }
0xbe: {  	_ =	sfence.sel $0xFFFF  }
0xbf: {  	[dreg:$0x0] =	wrdreg $0xFFFFFFFF;
	(pc) =	sbr.abs _section_cstart, $3  }
0xc0: {  	[dreg:$0x1] =	wrdreg $0xFFFFFFFF  }
0xc1: {  	_ =	task.clear_ibuf [dreg:s7], $0x2FFFF;
	_ =	strace $0x9FFFFFFF  }
0xc2: {  	(tm) =	ssettm $0x7FFFFFFF  }
0xc3: {  	_ =	shalt  }
tec
execute0_lowered:
.L_overlay_start_1:
0x0: {  	(tag) =	ssettag $0x1  }
0x1: {  	s3 =	rddreg [dreg:$0x0];
	s0 =	srdreg.scid  }
0x2: {  	s4 =	rddreg [dreg:$0x1];
	s1 =	stileid.u32;
	s2 =	simm.s32 $0x0  }
0x3: {  	s9 =	simm.s32 $0x0;
	s5 =	sand.u32 $0x1, s0;
	s0 =	rddreg [dreg:$0x2]  }
0x4: {  	s6 =	sshll.u32 s1, $0xA;
	[smem:$0x7FF] =	sst s2;
	s30 =	sshll.u32 s1, $0xB  }
0x5: {  	s7 =	sshll.u32 s5, $0x9;
	s29 =	ssub.s32 $0x2, s5;
	_ =	strace $0x80000047  }
0x6: {  	v0 =	vlaneseq.u32;
	s31 =	sshll.u32 s5, $0xA;
	s6 =	sor.u32 s7, s6;
	s8 =	sshrl.u32 s29, $0x1  }
0x7: {  	v1 =	vmul.u32 $0x2, v0;
	s6 =	sshrl.u32 s6, $0x3;
	s7 =	ssub.s32 s29, s8;
	s8 =	simm.s32 $0x200  }
0x8: {  	s4 =	sadd.s32 s6, s4;
	s3 =	sadd.s32 s3, s6;
	s5 =	smax.u32 s7, $0x1  }
0x9: {  	v0 =	vadd.s32 $0x2A, v1;
	v1 =	vadd.s32 $0x2B, v1;
	s6 =	sor.u32 s31, s30;
	s7 =	simm.s32 $0x1;
	s4 =	sadd.s32 $0xE00, s4  }
.LBB2_1:
0xa: {  	v2 =	vadd.s32 s6, v1  }
0xb: {  	v3 =	vadd.s32 s6, v0;
	v4 =	vshrl.u32 v2, $0x13;
	v5 =	vshll.u32 v2, $0xD  }
0xc: {  	v6 =	vshrl.u32 v3, $0x13;
	v7 =	vshll.u32 v3, $0xD;
	v4 =	vor.u32 v4, v5  }
0xd: {  	v5 =	vor.u32 v6, v7;
	v4 =	vxor.u32 v2, v4  }
0xe: {  	v5 =	vxor.u32 v3, v5;
	v6 =	vshrl.u32 v4, $0x11;
	v7 =	vshll.u32 v4, $0xF  }
0xf: {  	v8 =	vshrl.u32 v5, $0x11;
	v2 =	vadd.s32 v2, v4;
	v4 =	vor.u32 v6, v7  }
0x10: {  	v3 =	vadd.s32 v3, v5;
	v5 =	vshll.u32 v5, $0xF;
	v4 =	vxor.u32 v2, v4  }
0x11: {  	v5 =	vor.u32 v8, v5;
	v6 =	vshrl.u32 v4, $0x6;
	v7 =	vshll.u32 v4, $0x1A  }
0x12: {  	v5 =	vxor.u32 v3, v5;
	v2 =	vadd.s32 v2, v4;
	v4 =	vor.u32 v6, v7  }
0x13: {  	v6 =	vshrl.u32 v5, $0x6;
	v7 =	vshll.u32 v5, $0x1A;
	v4 =	vxor.u32 v2, v4  }
0x14: {  	v6 =	vor.u32 v6, v7;
	v7 =	vshrl.u32 v4, $0x1A;
	v51 =	vshll.u32 v4, $0x6  }
0x15: {  	v2 =	vadd.s32 v2, v4;
	v4 =	vor.u32 v7, v51  }
0x16: {  	v3 =	vadd.s32 v3, v5;
	v4 =	vxor.u32 v2, v4  }
0x17: {  	v5 =	vxor.u32 v3, v6;
	v4 =	vadd.s32 $0x1BD11BF1, v4  }
0x18: {  	v2 =	vadd.s32 v4, v2;
	v7 =	vshrl.u32 v4, $0xF;
	v4 =	vshll.u32 v4, $0x11  }
0x19: {  	v6 =	vshrl.u32 v5, $0x1A;
	v2 =	vadd.s32 $0x2A, v2;
	v4 =	vor.u32 v7, v4  }
0x1a: {  	v52 =	vshll.u32 v5, $0x6;
	v3 =	vadd.s32 v3, v5;
	v4 =	vxor.u32 v2, v4  }
0x1b: {  	v6 =	vor.u32 v6, v52;
	v5 =	vshrl.u32 v4, $0x3;
	v7 =	vshll.u32 v4, $0x1D  }
0x1c: {  	v6 =	vxor.u32 v3, v6;
	v2 =	vadd.s32 v2, v4;
	v4 =	vor.u32 v5, v7  }
0x1d: {  	v5 =	vadd.s32 $0x1BD11BF1, v6;
	v4 =	vxor.u32 v2, v4  }
0x1e: {  	v3 =	vadd.s32 v5, v3;
	v6 =	vshrl.u32 v4, $0x10;
	v7 =	vshll.u32 v4, $0x10  }
0x1f: {  	v53 =	vshrl.u32 v5, $0xF;
	v2 =	vadd.s32 v2, v4;
	v4 =	vor.u32 v6, v7  }
0x20: {  	v5 =	vshll.u32 v5, $0x11;
	v3 =	vadd.s32 $0x2A, v3;
	v4 =	vxor.u32 v2, v4  }
0x21: {  	v5 =	vor.u32 v53, v5;
	v6 =	vshrl.u32 v4, $0x8;
	v7 =	vshll.u32 v4, $0x18  }
0x22: {  	v5 =	vxor.u32 v3, v5;
	v2 =	vadd.s32 v2, v4;
	v4 =	vor.u32 v6, v7  }
0x23: {  	v6 =	vshrl.u32 v5, $0x3;
	v7 =	vshll.u32 v5, $0x1D;
	v4 =	vxor.u32 v2, v4  }
0x24: {  	v3 =	vadd.s32 v3, v5;
	v5 =	vor.u32 v6, v7;
	v4 =	vadd.s32 $0x2, v4  }
0x25: {  	v2 =	vadd.s32 v4, v2;
	v6 =	vshrl.u32 v4, $0x13;
	v4 =	vshll.u32 v4, $0xD  }
0x26: {  	v5 =	vxor.u32 v3, v5;
	v2 =	vadd.s32 $0x1BD11BF0, v2;
	v4 =	vor.u32 v6, v4  }
0x27: {  	v7 =	vshll.u32 v5, $0x10;
	v6 =	vshrl.u32 v5, $0x10;
	v4 =	vxor.u32 v2, v4  }
0x28: {  	v6 =	vor.u32 v6, v7;
	v7 =	vshrl.u32 v4, $0x11;
	v54 =	vshll.u32 v4, $0xF  }
0x29: {  	v3 =	vadd.s32 v3, v5;
	v2 =	vadd.s32 v2, v4;
	v4 =	vor.u32 v7, v54  }
0x2a: {  	v5 =	vxor.u32 v3, v6;
	v4 =	vxor.u32 v2, v4  }
0x2b: {  	v6 =	vshrl.u32 v5, $0x8;
	v7 =	vshrl.u32 v4, $0x6;
	v55 =	vshll.u32 v4, $0x1A  }
0x2c: {  	v9 =	vshll.u32 v5, $0x18;
	v2 =	vadd.s32 v2, v4;
	v4 =	vor.u32 v7, v55  }
0x2d: {  	v3 =	vadd.s32 v3, v5;
	v5 =	vor.u32 v6, v9;
	v4 =	vxor.u32 v2, v4  }
0x2e: {  	v5 =	vxor.u32 v3, v5;
	v6 =	vshrl.u32 v4, $0x1A;
	v7 =	vshll.u32 v4, $0x6  }
0x2f: {  	v5 =	vadd.s32 $0x2, v5;
	v2 =	vadd.s32 v2, v4;
	v4 =	vor.u32 v6, v7  }
0x30: {  	v3 =	vadd.s32 v5, v3;
	v4 =	vxor.u32 v2, v4  }
0x31: {  	v3 =	vadd.s32 $0x1BD11BF0, v3;
	v6 =	vshrl.u32 v5, $0x13;
	v4 =	vadd.s32 $0x2D, v4  }
0x32: {  	v5 =	vshll.u32 v5, $0xD;
	v7 =	vshrl.u32 v4, $0xF;
	v56 =	vshll.u32 v4, $0x11  }
0x33: {  	v5 =	vor.u32 v6, v5;
	v2 =	vadd.s32 v2, v4;
	v4 =	vor.u32 v7, v56  }
0x34: {  	v5 =	vxor.u32 v3, v5;
	v4 =	vxor.u32 v2, v4  }
0x35: {  	v6 =	vshrl.u32 v5, $0x11;
	v7 =	vshrl.u32 v4, $0x3;
	v57 =	vshll.u32 v4, $0x1D  }
0x36: {  	v58 =	vshll.u32 v5, $0xF;
	v2 =	vadd.s32 v2, v4;
	v4 =	vor.u32 v7, v57  }
0x37: {  	v3 =	vadd.s32 v3, v5;
	v6 =	vor.u32 v6, v58;
	v4 =	vxor.u32 v2, v4  }
0x38: {  	v5 =	vxor.u32 v3, v6;
	v6 =	vshrl.u32 v4, $0x10;
	v7 =	vshll.u32 v4, $0x10  }
0x39: {  	v59 =	vshrl.u32 v5, $0x6;
	v2 =	vadd.s32 v2, v4;
	v4 =	vor.u32 v6, v7  }
0x3a: {  	v3 =	vadd.s32 v3, v5;
	v6 =	vshll.u32 v5, $0x1A;
	v4 =	vxor.u32 v2, v4  }
0x3b: {  	v5 =	vor.u32 v59, v6;
	v6 =	vshrl.u32 v4, $0x8;
	v7 =	vshll.u32 v4, $0x18  }
0x3c: {  	v5 =	vxor.u32 v3, v5;
	v2 =	vadd.s32 v2, v4;
	v4 =	vor.u32 v6, v7  }
0x3d: {  	v6 =	vshrl.u32 v5, $0x1A;
	v7 =	vshll.u32 v5, $0x6;
	v4 =	vxor.u32 v2, v4  }
0x3e: {  	v3 =	vadd.s32 v3, v5;
	v5 =	vor.u32 v6, v7;
	v4 =	vadd.s32 $0x1BD11BF4, v4  }
0x3f: {  	v5 =	vxor.u32 v3, v5;
	v2 =	vadd.s32 v4, v2  }
0x40: {  	v6 =	vshrl.u32 v4, $0x13;
	v4 =	vshll.u32 v4, $0xD;
	v5 =	vadd.s32 $0x2D, v5  }
0x41: {  	v2 =	vadd.s32 $0x2A, v2;
	v4 =	vor.u32 v6, v4;
	v6 =	vshrl.u32 v5, $0xF  }
0x42: {  	v60 =	vshll.u32 v5, $0x11;
	v3 =	vadd.s32 v3, v5;
	v4 =	vxor.u32 v2, v4  }
0x43: {  	v5 =	vor.u32 v6, v60;
	v7 =	vshrl.u32 v4, $0x11;
	v61 =	vshll.u32 v4, $0xF  }
0x44: {  	v2 =	vadd.s32 v2, v4;
	v5 =	vxor.u32 v3, v5;
	v4 =	vor.u32 v7, v61  }
0x45: {  	v6 =	vshrl.u32 v5, $0x3;
	v7 =	vshll.u32 v5, $0x1D;
	v4 =	vxor.u32 v2, v4  }
0x46: {  	v3 =	vadd.s32 v3, v5;
	v5 =	vor.u32 v6, v7;
	v62 =	vshrl.u32 v4, $0x6  }
0x47: {  	v6 =	vshll.u32 v4, $0x1A;
	v2 =	vadd.s32 v2, v4;
	v4 =	vxor.u32 v3, v5  }
0x48: {  	v5 =	vor.u32 v62, v6;
	v6 =	vshrl.u32 v4, $0x10;
	v7 =	vshll.u32 v4, $0x10  }
0x49: {  	v3 =	vadd.s32 v3, v4;
	v5 =	vxor.u32 v2, v5;
	v6 =	vor.u32 v6, v7  }
0x4a: {  	v4 =	vshrl.u32 v5, $0x1A;
	v7 =	vshll.u32 v5, $0x6;
	v6 =	vxor.u32 v3, v6  }
0x4b: {  	v2 =	vadd.s32 v2, v5;
	v5 =	vshrl.u32 v6, $0x8;
	v63 =	vshll.u32 v6, $0x18  }
0x4c: {  	v4 =	vor.u32 v4, v7;
	v3 =	vadd.s32 v3, v6;
	v5 =	vor.u32 v5, v63  }
0x4d: {  	v4 =	vxor.u32 v2, v4;
	v5 =	vxor.u32 v3, v5  }
0x4e: {  	v2 =	vadd.s32 $0x1BD11BF0, v2;
	v4 =	vadd.s32 $0x5, v4;
	v5 =	vadd.s32 $0x1BD11BF4, v5  }
0x4f: {  	v3 =	vadd.s32 v5, v3;
	v6 =	vshrl.u32 v5, $0x13;
	v5 =	vshll.u32 v5, $0xD  }
0x50: {  	s10 =	simm.s32 $0x0;
	s12 =	sadd.s32 $0x20, s6;
	v4 =	vxor.u32 v2, v4;
	v2 =	vadd.s32 $0x2A, v3;
	v3 =	vor.u32 v6, v5  }
0x51: {  	s11 =	simm.s32 $0x40;
	s13 =	simm.s32 $0x80;
	[tilespmem:s10+$0x200] =	vst v4;
	v4 =	vadd.s32 s12, v0;
	v5 =	vadd.s32 s12, v1;
	v3 =	vxor.u32 v2, v3  }
.LBB2_2:
0x52: {  	p0 =	sne.s32 s13, $0x7C0;
	v6 =	vshrl.u32 v4, $0x13;
	v7 =	vshrl.u32 v5, $0x13;
	v8 =	vshll.u32 v5, $0xD  }
0x53: {  	v9 =	vshll.u32 v4, $0xD;
	v7 =	vor.u32 v7, v8;
	v8 =	vshrl.u32 v3, $0x11  }
0x54: {  	v6 =	vor.u32 v6, v9;
	v9 =	vshll.u32 v3, $0xF;
	v7 =	vxor.u32 v5, v7  }
0x55: {  	v6 =	vxor.u32 v4, v6;
	v10 =	vshrl.u32 v7, $0x11;
	v11 =	vshll.u32 v7, $0xF  }
0x56: {  	v12 =	vshrl.u32 v6, $0x11;
	v5 =	vadd.s32 v5, v7;
	v7 =	vor.u32 v10, v11  }
0x57: {  	v4 =	vadd.s32 v4, v6;
	v6 =	vshll.u32 v6, $0xF;
	v7 =	vxor.u32 v5, v7  }
0x58: {  	v6 =	vor.u32 v12, v6;
	v10 =	vshrl.u32 v7, $0x6;
	v11 =	vshll.u32 v7, $0x1A  }
0x59: {  	v6 =	vxor.u32 v4, v6;
	v5 =	vadd.s32 v5, v7;
	v7 =	vor.u32 v10, v11  }
0x5a: {  	v10 =	vshrl.u32 v6, $0x6;
	v11 =	vshll.u32 v6, $0x1A;
	v7 =	vxor.u32 v5, v7  }
0x5b: {  	v10 =	vor.u32 v10, v11;
	v11 =	vshrl.u32 v7, $0x1A;
	v12 =	vshll.u32 v7, $0x6  }
0x5c: {  	v4 =	vadd.s32 v4, v6;
	v5 =	vadd.s32 v5, v7;
	v6 =	vor.u32 v11, v12  }
0x5d: {  	v8 =	vor.u32 v8, v9;
	v7 =	vxor.u32 v4, v10;
	v6 =	vxor.u32 v5, v6  }
0x5e: {  	v9 =	vshrl.u32 v7, $0x1A;
	v10 =	vshll.u32 v7, $0x6;
	v6 =	vadd.s32 $0x1BD11BF1, v6  }
0x5f: {  	v5 =	vadd.s32 v6, v5;
	v11 =	vshrl.u32 v6, $0xF;
	v6 =	vshll.u32 v6, $0x11  }
0x60: {  	v9 =	vor.u32 v9, v10;
	v5 =	vadd.s32 $0x2A, v5;
	v6 =	vor.u32 v11, v6  }
0x61: {  	v2 =	vadd.s32 v2, v3;
	v4 =	vadd.s32 v4, v7;
	v6 =	vxor.u32 v5, v6  }
0x62: {  	v3 =	vxor.u32 v4, v9;
	v7 =	vshrl.u32 v6, $0x3;
	v9 =	vshll.u32 v6, $0x1D  }
0x63: {  	v3 =	vadd.s32 $0x1BD11BF1, v3;
	v5 =	vadd.s32 v5, v6;
	v6 =	vor.u32 v7, v9  }
0x64: {  	v4 =	vadd.s32 v3, v4;
	v7 =	vshrl.u32 v3, $0xF;
	v6 =	vxor.u32 v5, v6  }
0x65: {  	v3 =	vshll.u32 v3, $0x11;
	v9 =	vshrl.u32 v6, $0x10;
	v10 =	vshll.u32 v6, $0x10  }
0x66: {  	v4 =	vadd.s32 $0x2A, v4;
	v5 =	vadd.s32 v5, v6;
	v6 =	vor.u32 v9, v10  }
0x67: {  	v3 =	vor.u32 v7, v3;
	v7 =	vxor.u32 v2, v8;
	v6 =	vxor.u32 v5, v6  }
0x68: {  	v3 =	vxor.u32 v4, v3;
	v8 =	vshrl.u32 v6, $0x8;
	v9 =	vshll.u32 v6, $0x18  }
0x69: {  	v10 =	vshrl.u32 v3, $0x3;
	v5 =	vadd.s32 v5, v6;
	v6 =	vor.u32 v8, v9  }
0x6a: {  	v4 =	vadd.s32 v4, v3;
	v3 =	vshll.u32 v3, $0x1D;
	v6 =	vxor.u32 v5, v6  }
0x6b: {  	v3 =	vor.u32 v10, v3;
	v8 =	vshrl.u32 v7, $0x6;
	v6 =	vadd.s32 $0x2, v6  }
0x6c: {  	v5 =	vadd.s32 v6, v5;
	v9 =	vshrl.u32 v6, $0x13;
	v6 =	vshll.u32 v6, $0xD  }
0x6d: {  	v3 =	vxor.u32 v4, v3;
	v5 =	vadd.s32 $0x1BD11BF0, v5;
	v6 =	vor.u32 v9, v6  }
0x6e: {  	v10 =	vshll.u32 v3, $0x10;
	v9 =	vshrl.u32 v3, $0x10;
	v6 =	vxor.u32 v5, v6  }
0x6f: {  	v9 =	vor.u32 v9, v10;
	v10 =	vshrl.u32 v6, $0x11;
	v11 =	vshll.u32 v6, $0xF  }
0x70: {  	v3 =	vadd.s32 v4, v3;
	v4 =	vadd.s32 v5, v6;
	v5 =	vor.u32 v10, v11  }
0x71: {  	v6 =	vxor.u32 v3, v9;
	v9 =	vshll.u32 v7, $0x1A;
	v5 =	vxor.u32 v4, v5  }
0x72: {  	v10 =	vshrl.u32 v6, $0x8;
	v11 =	vshrl.u32 v5, $0x6;
	v12 =	vshll.u32 v5, $0x1A  }
0x73: {  	v13 =	vshll.u32 v6, $0x18;
	v4 =	vadd.s32 v4, v5;
	v5 =	vor.u32 v11, v12  }
0x74: {  	v3 =	vadd.s32 v3, v6;
	v6 =	vor.u32 v10, v13;
	v5 =	vxor.u32 v4, v5  }
0x75: {  	v6 =	vxor.u32 v3, v6;
	v10 =	vshrl.u32 v5, $0x1A;
	v11 =	vshll.u32 v5, $0x6  }
0x76: {  	v6 =	vadd.s32 $0x2, v6;
	v4 =	vadd.s32 v4, v5;
	v5 =	vor.u32 v10, v11  }
0x77: {  	v3 =	vadd.s32 v6, v3;
	v10 =	vshrl.u32 v6, $0x13;
	v5 =	vxor.u32 v4, v5  }
0x78: {  	v3 =	vadd.s32 $0x1BD11BF0, v3;
	v6 =	vshll.u32 v6, $0xD;
	v5 =	vadd.s32 $0x2D, v5  }
0x79: {  	v6 =	vor.u32 v10, v6;
	v10 =	vshrl.u32 v5, $0xF;
	v11 =	vshll.u32 v5, $0x11  }
0x7a: {  	v6 =	vxor.u32 v3, v6;
	v4 =	vadd.s32 v4, v5;
	v5 =	vor.u32 v10, v11  }
0x7b: {  	v10 =	vshrl.u32 v6, $0x11;
	v11 =	vshll.u32 v6, $0xF;
	v5 =	vxor.u32 v4, v5  }
0x7c: {  	v10 =	vor.u32 v10, v11;
	v11 =	vshrl.u32 v5, $0x3;
	v12 =	vshll.u32 v5, $0x1D  }
0x7d: {  	v3 =	vadd.s32 v3, v6;
	v4 =	vadd.s32 v4, v5;
	v5 =	vor.u32 v11, v12  }
0x7e: {  	v8 =	vor.u32 v8, v9;
	v6 =	vxor.u32 v3, v10;
	v5 =	vxor.u32 v4, v5  }
0x7f: {  	v9 =	vshrl.u32 v6, $0x6;
	v10 =	vshrl.u32 v5, $0x10;
	v11 =	vshll.u32 v5, $0x10  }
0x80: {  	v12 =	vshll.u32 v6, $0x1A;
	v4 =	vadd.s32 v4, v5;
	v5 =	vor.u32 v10, v11  }
0x81: {  	v3 =	vadd.s32 v3, v6;
	v6 =	vor.u32 v9, v12;
	v5 =	vxor.u32 v4, v5  }
0x82: {  	v6 =	vxor.u32 v3, v6;
	v9 =	vshrl.u32 v5, $0x8;
	v10 =	vshll.u32 v5, $0x18  }
0x83: {  	v11 =	vshrl.u32 v6, $0x1A;
	v4 =	vadd.s32 v4, v5;
	v5 =	vor.u32 v9, v10  }
0x84: {  	v3 =	vadd.s32 v3, v6;
	v6 =	vshll.u32 v6, $0x6;
	v5 =	vxor.u32 v4, v5  }
0x85: {  	v2 =	vadd.s32 v2, v7;
	v6 =	vor.u32 v11, v6;
	v5 =	vadd.s32 $0x1BD11BF4, v5  }
0x86: {  	v4 =	vadd.s32 v5, v4;
	v7 =	vshrl.u32 v5, $0x13;
	v5 =	vshll.u32 v5, $0xD  }
0x87: {  	v6 =	vxor.u32 v3, v6;
	v4 =	vadd.s32 $0x2A, v4;
	v5 =	vor.u32 v7, v5  }
0x88: {  	v6 =	vadd.s32 $0x2D, v6;
	v7 =	vxor.u32 v2, v8;
	v5 =	vxor.u32 v4, v5  }
0x89: {  	v8 =	vshrl.u32 v6, $0xF;
	v9 =	vshrl.u32 v5, $0x11;
	v10 =	vshll.u32 v5, $0xF  }
0x8a: {  	v11 =	vshll.u32 v6, $0x11;
	v4 =	vadd.s32 v4, v5;
	v5 =	vor.u32 v9, v10  }
0x8b: {  	v3 =	vadd.s32 v3, v6;
	v6 =	vor.u32 v8, v11;
	v5 =	vxor.u32 v4, v5  }
0x8c: {  	v6 =	vxor.u32 v3, v6;
	v8 =	vshrl.u32 v5, $0x6;
	v9 =	vshll.u32 v5, $0x1A  }
0x8d: {  	v10 =	vshrl.u32 v6, $0x3;
	v4 =	vadd.s32 v4, v5;
	v5 =	vor.u32 v8, v9  }
0x8e: {  	v3 =	vadd.s32 v3, v6;
	v6 =	vshll.u32 v6, $0x1D;
	v5 =	vxor.u32 v4, v5  }
0x8f: {  	v6 =	vor.u32 v10, v6;
	v8 =	vshrl.u32 v5, $0x1A;
	v9 =	vshll.u32 v5, $0x6  }
0x90: {  	v6 =	vxor.u32 v3, v6;
	v4 =	vadd.s32 v4, v5;
	v5 =	vor.u32 v8, v9  }
0x91: {  	v8 =	vshrl.u32 v6, $0x10;
	v9 =	vshll.u32 v6, $0x10;
	v5 =	vxor.u32 v4, v5  }
0x92: {  	v8 =	vor.u32 v8, v9;
	v4 =	vadd.s32 $0x1BD11BF0, v4;
	v5 =	vadd.s32 $0x5, v5  }
0x93: {  	s14 =	sshra.s32 s11, $0x2;
	s11 =	smov.u32 s13;
	v3 =	vadd.s32 v3, v6;
	v4 =	vxor.u32 v4, v5;
	v5 =	vshrl.u32 v7, $0x1A  }
0x94: {  	v2 =	vadd.s32 v2, v7;
	v6 =	vxor.u32 v3, v8;
	[tilespmem:s14+$0x200] =	vst v4;
	v4 =	vshll.u32 v7, $0x6  }
0x95: {  	v3 =	vadd.s32 v3, v6;
	v7 =	vshrl.u32 v6, $0x8;
	v6 =	vshll.u32 v6, $0x18  }
0x96: {  	v6 =	vor.u32 v7, v6;
	v4 =	vor.u32 v5, v4;
	v5 =	vadd.s32 $0x1BD11BF0, v2  }
.Ltmp0:
0x97: {  	v6 =	vxor.u32 v3, v6;
	v2 =	vxor.u32 v2, v4;
	(pc) =	sbr.rel @p0 .LBB2_2-.Ltmp0, $4  }
0x98: {  	v4 =	vadd.s32 $0x1BD11BF4, v6;
	v6 =	vadd.s32 $0x5, v2  }
0x99: {  	v2 =	vadd.s32 v4, v3;
	v3 =	vshrl.u32 v4, $0x13;
	v4 =	vshll.u32 v4, $0xD  }
0x9a: {  	s12 =	sadd.s32 $0x20, s12;
	v6 =	vxor.u32 v5, v6;
	v2 =	vadd.s32 $0x2A, v2;
	v3 =	vor.u32 v3, v4  }
0x9b: {  	s13 =	sadd.s32 $0x40, s13;
	v5 =	vadd.s32 s12, v1;
	v4 =	vadd.s32 s12, v0;
	v3 =	vxor.u32 v2, v3;
	[tilespmem:s10+$0x0] =	vst v6;
	s10 =	smov.u32 s14  }
0x9c: {  	v6 =	vshrl.u32 v5, $0x13;
	v7 =	vshll.u32 v5, $0xD  }
0x9d: {  	v8 =	vshrl.u32 v4, $0x13;
	v9 =	vshll.u32 v4, $0xD;
	v6 =	vor.u32 v6, v7  }
0x9e: {  	v13 =	vor.u32 v8, v9;
	v6 =	vxor.u32 v5, v6  }
0x9f: {  	v7 =	vxor.u32 v4, v13;
	v14 =	vshrl.u32 v6, $0x11  }
0xa0: {  	v15 =	vshll.u32 v6, $0xF;
	v10 =	vshrl.u32 v7, $0x11;
	v5 =	vadd.s32 v5, v6  }
0xa1: {  	v4 =	vadd.s32 v4, v7;
	v7 =	vshll.u32 v7, $0xF;
	v16 =	vor.u32 v14, v15  }
0xa2: {  	v25 =	vshrl.u32 v3, $0x11;
	v7 =	vor.u32 v10, v7;
	v6 =	vxor.u32 v5, v16  }
0xa3: {  	v7 =	vxor.u32 v4, v7;
	v17 =	vshrl.u32 v6, $0x6;
	v18 =	vshll.u32 v6, $0x1A  }
0xa4: {  	v5 =	vadd.s32 v5, v6;
	v20 =	vshrl.u32 v7, $0x6;
	v21 =	vshll.u32 v7, $0x1A  }
0xa5: {  	v4 =	vadd.s32 v4, v7;
	v19 =	vor.u32 v17, v18;
	v8 =	vor.u32 v20, v21  }
0xa6: {  	v26 =	vshll.u32 v3, $0xF;
	v6 =	vxor.u32 v5, v19;
	v8 =	vxor.u32 v4, v8  }
0xa7: {  	v22 =	vshrl.u32 v6, $0x1A;
	v23 =	vshll.u32 v6, $0x6;
	v5 =	vadd.s32 v5, v6  }
0xa8: {  	v27 =	vshrl.u32 v8, $0x1A;
	v12 =	vshll.u32 v8, $0x6;
	v24 =	vor.u32 v22, v23  }
0xa9: {  	v4 =	vadd.s32 v4, v8;
	v28 =	vor.u32 v27, v12;
	v6 =	vxor.u32 v5, v24  }
0xaa: {  	v2 =	vadd.s32 v2, v3;
	v9 =	vxor.u32 v4, v28;
	v6 =	vadd.s32 $0x1BD11BF1, v6  }
0xab: {  	v5 =	vadd.s32 v6, v5;
	v11 =	vshrl.u32 v6, $0xF;
	v6 =	vshll.u32 v6, $0x11  }
0xac: {  	v3 =	vadd.s32 $0x1BD11BF1, v9;
	v5 =	vadd.s32 $0x2A, v5;
	v6 =	vor.u32 v11, v6  }
0xad: {  	v4 =	vadd.s32 v3, v4;
	v6 =	vxor.u32 v5, v6  }
0xae: {  	v34 =	vshrl.u32 v3, $0xF;
	v29 =	vshrl.u32 v6, $0x3;
	v30 =	vshll.u32 v6, $0x1D  }
0xaf: {  	v3 =	vshll.u32 v3, $0x11;
	v5 =	vadd.s32 v5, v6;
	v31 =	vor.u32 v29, v30  }
0xb0: {  	v4 =	vadd.s32 $0x2A, v4;
	v3 =	vor.u32 v34, v3;
	v6 =	vxor.u32 v5, v31  }
0xb1: {  	v3 =	vxor.u32 v4, v3;
	v32 =	vshrl.u32 v6, $0x10;
	v33 =	vshll.u32 v6, $0x10  }
0xb2: {  	v39 =	vshrl.u32 v3, $0x3;
	v5 =	vadd.s32 v5, v6;
	v35 =	vor.u32 v32, v33  }
0xb3: {  	v40 =	vshll.u32 v3, $0x1D;
	v3 =	vadd.s32 v4, v3;
	v6 =	vxor.u32 v5, v35  }
0xb4: {  	v41 =	vor.u32 v39, v40;
	v36 =	vshrl.u32 v6, $0x8;
	v37 =	vshll.u32 v6, $0x18  }
0xb5: {  	v4 =	vxor.u32 v3, v41;
	v5 =	vadd.s32 v5, v6;
	v38 =	vor.u32 v36, v37  }
0xb6: {  	v7 =	vor.u32 v25, v26;
	v43 =	vshrl.u32 v4, $0x10;
	v6 =	vxor.u32 v5, v38  }
0xb7: {  	v44 =	vshll.u32 v4, $0x10;
	v3 =	vadd.s32 v3, v4;
	v6 =	vadd.s32 $0x2, v6  }
0xb8: {  	v5 =	vadd.s32 v6, v5;
	v42 =	vshrl.u32 v6, $0x13;
	v6 =	vshll.u32 v6, $0xD  }
0xb9: {  	v8 =	vor.u32 v43, v44;
	v5 =	vadd.s32 $0x1BD11BF0, v5;
	v6 =	vor.u32 v42, v6  }
0xba: {  	v49 =	vxor.u32 v2, v7;
	v50 =	vxor.u32 v3, v8;
	v6 =	vxor.u32 v5, v6  }
0xbb: {  	v8 =	vshrl.u32 v50, $0x8;
	v45 =	vshrl.u32 v6, $0x11;
	v46 =	vshll.u32 v6, $0xF  }
0xbc: {  	v53 =	vshll.u32 v50, $0x18;
	v47 =	vadd.s32 v5, v6;
	v48 =	vor.u32 v45, v46  }
0xbd: {  	v3 =	vadd.s32 v3, v50;
	v55 =	vor.u32 v8, v53;
	v5 =	vxor.u32 v47, v48  }
0xbe: {  	v7 =	vxor.u32 v3, v55;
	v51 =	vshrl.u32 v5, $0x6;
	v52 =	vshll.u32 v5, $0x1A  }
0xbf: {  	v7 =	vadd.s32 $0x2, v7;
	v4 =	vadd.s32 v47, v5;
	v54 =	vor.u32 v51, v52  }
0xc0: {  	v16 =	vshrl.u32 v49, $0x6;
	v3 =	vadd.s32 v7, v3;
	v5 =	vxor.u32 v4, v54  }
0xc1: {  	v59 =	vshrl.u32 v7, $0x13;
	v56 =	vshrl.u32 v5, $0x1A;
	v57 =	vshll.u32 v5, $0x6  }
0xc2: {  	v7 =	vshll.u32 v7, $0xD;
	v4 =	vadd.s32 v4, v5;
	v58 =	vor.u32 v56, v57  }
0xc3: {  	v3 =	vadd.s32 $0x1BD11BF0, v3;
	v7 =	vor.u32 v59, v7;
	v5 =	vxor.u32 v4, v58  }
0xc4: {  	v2 =	vadd.s32 v2, v49;
	v7 =	vxor.u32 v3, v7;
	v5 =	vadd.s32 $0x2D, v5  }
0xc5: {  	v63 =	vshrl.u32 v7, $0x11;
	v60 =	vshrl.u32 v5, $0xF;
	v61 =	vshll.u32 v5, $0x11  }
0xc6: {  	v12 =	vshll.u32 v7, $0xF;
	v4 =	vadd.s32 v4, v5;
	v62 =	vor.u32 v60, v61  }
0xc7: {  	v3 =	vadd.s32 v3, v7;
	v8 =	vor.u32 v63, v12;
	v5 =	vxor.u32 v4, v62  }
0xc8: {  	v8 =	vxor.u32 v3, v8;
	v13 =	vshrl.u32 v5, $0x3;
	v14 =	vshll.u32 v5, $0x1D  }
0xc9: {  	v17 =	vshrl.u32 v8, $0x6;
	v4 =	vadd.s32 v4, v5;
	v15 =	vor.u32 v13, v14  }
0xca: {  	v20 =	vshll.u32 v8, $0x1A;
	v3 =	vadd.s32 v3, v8;
	v5 =	vxor.u32 v4, v15  }
0xcb: {  	v22 =	vor.u32 v17, v20;
	v18 =	vshrl.u32 v5, $0x10;
	v19 =	vshll.u32 v5, $0x10  }
0xcc: {  	v8 =	vxor.u32 v3, v22;
	v4 =	vadd.s32 v4, v5;
	v21 =	vor.u32 v18, v19  }
0xcd: {  	v25 =	vshrl.u32 v8, $0x1A;
	v26 =	vshll.u32 v8, $0x6;
	v5 =	vxor.u32 v4, v21  }
0xce: {  	v3 =	vadd.s32 v3, v8;
	v23 =	vshrl.u32 v5, $0x8;
	v24 =	vshll.u32 v5, $0x18  }
0xcf: {  	v4 =	vadd.s32 v4, v5;
	v5 =	vor.u32 v25, v26;
	v9 =	vor.u32 v23, v24  }
0xd0: {  	v27 =	vshll.u32 v49, $0x1A;
	v5 =	vxor.u32 v3, v5;
	v9 =	vxor.u32 v4, v9  }
0xd1: {  	v7 =	vor.u32 v16, v27;
	v5 =	vadd.s32 $0x2D, v5;
	v28 =	vadd.s32 $0x1BD11BF4, v9  }
0xd2: {  	v29 =	vshrl.u32 v5, $0xF;
	v30 =	vshll.u32 v5, $0x11;
	v3 =	vadd.s32 v3, v5  }
0xd3: {  	v4 =	vadd.s32 v28, v4;
	v31 =	vshrl.u32 v28, $0x13;
	v32 =	vor.u32 v29, v30  }
0xd4: {  	v8 =	vshll.u32 v28, $0xD;
	v4 =	vadd.s32 $0x2A, v4;
	v5 =	vxor.u32 v3, v32  }
0xd5: {  	v8 =	vor.u32 v31, v8;
	v33 =	vshrl.u32 v5, $0x3;
	v34 =	vshll.u32 v5, $0x1D  }
0xd6: {  	v8 =	vxor.u32 v4, v8;
	v3 =	vadd.s32 v3, v5;
	v35 =	vor.u32 v33, v34  }
0xd7: {  	v7 =	vxor.u32 v2, v7;
	v36 =	vshrl.u32 v8, $0x11;
	v5 =	vxor.u32 v3, v35  }
0xd8: {  	v37 =	vshll.u32 v8, $0xF;
	v38 =	vshrl.u32 v5, $0x10;
	v39 =	vshll.u32 v5, $0x10  }
0xd9: {  	v4 =	vadd.s32 v4, v8;
	v3 =	vadd.s32 v3, v5;
	v8 =	vor.u32 v38, v39  }
0xda: {  	v2 =	vadd.s32 v2, v7;
	v41 =	vxor.u32 v3, v8  }
0xdb: {  	v9 =	vor.u32 v36, v37;
	v43 =	vshrl.u32 v41, $0x8;
	v44 =	vshll.u32 v41, $0x18  }
0xdc: {  	v40 =	vxor.u32 v4, v9;
	v3 =	vadd.s32 v3, v41;
	v46 =	vor.u32 v43, v44  }
0xdd: {  	v59 =	vshll.u32 v7, $0x6;
	v42 =	vshrl.u32 v40, $0x6;
	v6 =	vxor.u32 v3, v46  }
0xde: {  	v45 =	vshll.u32 v40, $0x1A;
	v4 =	vadd.s32 v4, v40;
	v6 =	vadd.s32 $0x1BD11BF4, v6  }
0xdf: {  	v3 =	vadd.s32 v6, v3;
	v48 =	vshrl.u32 v6, $0x13;
	v6 =	vshll.u32 v6, $0xD  }
0xe0: {  	v47 =	vor.u32 v42, v45;
	v3 =	vadd.s32 $0x2A, v3;
	v6 =	vor.u32 v48, v6  }
0xe1: {  	v58 =	vshrl.u32 v7, $0x1A;
	v5 =	vxor.u32 v4, v47;
	v51 =	vxor.u32 v3, v6  }
0xe2: {  	v49 =	vshrl.u32 v5, $0x1A;
	v53 =	vshrl.u32 v51, $0x11;
	v54 =	vshll.u32 v51, $0xF  }
0xe3: {  	v50 =	vshll.u32 v5, $0x6;
	v3 =	vadd.s32 v3, v51;
	v8 =	vor.u32 v53, v54  }
0xe4: {  	v4 =	vadd.s32 v4, v5;
	v52 =	vor.u32 v49, v50;
	v56 =	vxor.u32 v3, v8  }
0xe5: {  	v6 =	vxor.u32 v4, v52;
	v57 =	vshrl.u32 v56, $0x6;
	v8 =	vshll.u32 v56, $0x1A  }
0xe6: {  	v4 =	vadd.s32 $0x1BD11BF0, v4;
	v3 =	vadd.s32 v3, v56;
	v5 =	vor.u32 v57, v8  }
0xe7: {  	v55 =	vadd.s32 $0x5, v6;
	v6 =	vor.u32 v58, v59;
	v5 =	vxor.u32 v3, v5  }
0xe8: {  	v4 =	vxor.u32 v4, v55;
	v60 =	vshrl.u32 v5, $0x1A;
	v61 =	vshll.u32 v5, $0x6  }
0xe9: {  	v6 =	vxor.u32 v2, v6;
	v3 =	vadd.s32 v3, v5;
	v62 =	vor.u32 v60, v61  }
0xea: {  	s11 =	sshra.s32 s11, $0x2;
	v2 =	vadd.s32 $0x1BD11BF0, v2;
	v6 =	vadd.s32 $0x5, v6;
	v5 =	vxor.u32 v3, v62  }
0xeb: {  	[tilespmem:s11+$0x200] =	vst v4;
	v2 =	vxor.u32 v2, v6;
	v3 =	vadd.s32 $0x1BD11BF0, v3;
	v63 =	vadd.s32 $0x5, v5  }
0xec: {  	[tilespmem:s10+$0x0] =	vst v2;
	v2 =	vxor.u32 v3, v63  }
0xed: {  	[tilespmem:s11+$0x0] =	vst v2  }
0xee: {  	[hbm4b:s3+s2] =	stream.linear.scatter [tilespmem:s2], [sflag:$0x1], $0x200, $0x38;
	[tilespmem:$0x400] =	vst v63  }
0xef: {  	s9 =	sadd.s32 $0x1, s9;
	_ =	swait.ge [sflag:s7], $0x200  }
0xf0: {  	p0 =	sne.s32 s9, s5;
	[sflag:s7] =	ssyncset.done $0x0  }
.Ltmp1:
0xf1: {  	[sflag:s7] =	ssyncadd.s32 $0xFFFFFE00;
	(pc) =	sbr.rel @p0 .LBB2_1-.Ltmp1, $4  }
0xf2: {  	[hbm4b:s4+s2] =	stream.linear.scatter [tilespmem:s8], [sflag:$0x1], $0x200, $0x38;
	[tilespmem:$0x400] =	vst v63  }
0xf3: {  	_ =	swait.ge [sflag:s7], $0x200  }
0xf4: {  	[sflag:s7] =	ssyncset.done $0x0  }
0xf5: {  	[sflag:s7] =	ssyncadd.s32 $0xFFFFFE00  }
0xf6: {  	_ =	sfence.sel $0x180000  }
0xf7: {  	[bflag:$0x0] =	sbarrier.arrive $0xFFFF  }
0xf8: {  	p0 =	sne.s32 s1, $0x0;
	_ =	strace $0x90000047  }
0xf9: {  	s0 =	sadd.s32 @!p0 $0x100000, s0;
	[bflag:$0x2] =	sbarrier.arrive $0xFFFF  }
0xfa: {  	[sflag:s0] =	ssyncadd.tile.s32 @!p0 $0x1;
	_ =	shalt  }
.Lfunc_end2:
_tile_overlayer_lowered:
.L_overlay_start_2:
0xfb: {  	(tag) =	ssettag $0x2  }
0xfc: {  	s0 =	rddreg [dreg:$0x0];
	s2 =	stileid.u32  }
0xfd: {  	s1 =	rddreg [dreg:$0x1];
	p0 =	sne.s32 s2, $0x0  }
0xfe: {  	s3 =	rddreg [dreg:$0x2];
	[bflag:$0x3] =	sbarrier.arrive $0xFFFF;
	s2 =	simm.s32 @!p0 $0x1C01  }
0xff: {  	[timem:s3], [sflag:s2] =	dma.local @!p0 [hbm:s0], s1  }
0x100: {  	s0 =	simm.s32 @!p0 $0x1  }
0x101: {  	_ =	swait.ge @!p0 [sflag:s0], s1  }
0x102: {  	s1 =	ssub.s32 @!p0 $0x0, s1;
	[sflag:s0] =	ssyncset.done @!p0 $0x0  }
0x103: {  	[sflag:s0] =	ssyncadd.s32 @!p0 s1  }
0x104: {  	[bflag:$0x3] =	sbarrier.arrive $0xFFFF  }
0x105: {  	_ =	shalt  }

</sc_bundles>
